<compile_context>
chip_gen: v7x
topology: tpu7x:2x2x1
jax: 0.10.2.dev20260603
libtpu: 0.0.44.dev20260713+nightly
codegen_flags: <defaults>
</compile_context>

<pallas_src>
import functools
import jax
import jax.numpy as jnp
from jax import lax
from jax.experimental import pallas as pl
from jax.experimental.pallas import tpu as pltpu
from jax.experimental.pallas import tpu_sc as plsc

N = 10000
NPAD = 10240
E = 320000
D_IN = 128
D_HID = 256
D_OUT = 16
NW = 32
EW = E // NW
EB = 8000
NF = NPAD * 4
BLK = 128

_SC_PARAMS = pltpu.CompilerParams(needs_layout_passes=False)


def _mesh():
    return plsc.VectorSubcoreMesh(core_axis_name="c", subcore_axis_name="s")


def _zero_ref(ref, nvec):
    def z(i, carry):
        ref[pl.ds(i * 16, 16)] = jnp.zeros((16,), jnp.float32)
        return carry
    lax.fori_loop(0, nvec, z, 0)



def _deg_body(dst, out, idx_v, hist_v):
    c = lax.axis_index("c")
    s = lax.axis_index("s")
    w = c * 16 + s
    pltpu.sync_copy(dst.at[pl.ds(w * EW, EW)], idx_v)
    _zero_ref(hist_v, NPAD // 16)

    def body(j, carry):
        iv = idx_v[pl.ds(j * 16, 16)]
        plsc.addupdate_scatter(hist_v, [iv], jnp.ones((16,), jnp.float32))
        return carry

    lax.fori_loop(0, EW // 16, body, 0, unroll=8)
    pltpu.sync_copy(hist_v, out.at[w])


_deg_call = functools.partial(
    pl.kernel,
    out_type=jax.ShapeDtypeStruct((NW, NPAD), jnp.float32),
    mesh=_mesh(),
    scratch_types=[
        pltpu.VMEM((EW,), jnp.int32),
        pltpu.VMEM((NPAD,), jnp.float32),
    ],
    compiler_params=_SC_PARAMS,
)(_deg_body)


def _agg1_body(y32, src, dst, out, y_v, acc_v, sx_v, dx_v):
    c = lax.axis_index("c")
    s = lax.axis_index("s")
    w = c * 16 + s
    pltpu.sync_copy(y32.at[w], y_v)
    _zero_ref(acc_v, NF // 16)

    def blk(b, carry):
        pltpu.sync_copy(src.at[pl.ds(b * EB, EB)], sx_v)
        pltpu.sync_copy(dst.at[pl.ds(b * EB, EB)], dx_v)

        def body(j, carry2):
            sv = sx_v[pl.ds(j * 16, 16)] * 4
            dv = dx_v[pl.ds(j * 16, 16)] * 4
            for k in range(4):
                vals = plsc.load_gather(y_v, [sv + k])
                plsc.addupdate_scatter(acc_v, [dv + k], vals)
            return carry2

        return lax.fori_loop(0, EB // 16, body, carry, unroll=4)

    lax.fori_loop(0, E // EB, blk, 0)
    pltpu.sync_copy(acc_v, out.at[w])


_agg1_call = functools.partial(
    pl.kernel,
    out_type=jax.ShapeDtypeStruct((NW, NF), jnp.float32),
    mesh=_mesh(),
    scratch_types=[
        pltpu.VMEM((NF,), jnp.float32),
        pltpu.VMEM((NF,), jnp.float32),
        pltpu.VMEM((EB,), jnp.int32),
        pltpu.VMEM((EB,), jnp.int32),
    ],
    compiler_params=_SC_PARAMS,
)(_agg1_body)


def _agg2_body(y2g, src, dst, out, y_v, acc_v, sx_v, dx_v):
    c = lax.axis_index("c")
    s = lax.axis_index("s")
    w = c * 16 + s
    g = w % 4
    t = w // 4
    e0 = t * (E // 8)
    pltpu.sync_copy(y2g.at[g], y_v)
    _zero_ref(acc_v, NF // 16)

    def blk(b, carry):
        pltpu.sync_copy(src.at[pl.ds(e0 + b * EB, EB)], sx_v)
        pltpu.sync_copy(dst.at[pl.ds(e0 + b * EB, EB)], dx_v)

        def body(j, carry2):
            sv = sx_v[pl.ds(j * 16, 16)] * 4
            dv = dx_v[pl.ds(j * 16, 16)] * 4
            for k in range(4):
                vals = plsc.load_gather(y_v, [sv + k])
                plsc.addupdate_scatter(acc_v, [dv + k], vals)
            return carry2

        return lax.fori_loop(0, EB // 16, body, carry, unroll=4)

    lax.fori_loop(0, E // 8 // EB, blk, 0)
    pltpu.sync_copy(acc_v, out.at[w])


_agg2_call = functools.partial(
    pl.kernel,
    out_type=jax.ShapeDtypeStruct((NW, NF), jnp.float32),
    mesh=_mesh(),
    scratch_types=[
        pltpu.VMEM((NF,), jnp.float32),
        pltpu.VMEM((NF,), jnp.float32),
        pltpu.VMEM((EB,), jnp.int32),
        pltpu.VMEM((EB,), jnp.int32),
    ],
    compiler_params=_SC_PARAMS,
)(_agg2_body)



def _prep_body(x_ref, deg_ref, y_ref, dinv_ref):
    deg = jnp.sum(deg_ref[...], axis=0, keepdims=True).T + 1.0
    dinv = lax.rsqrt(deg)
    y_ref[...] = x_ref[...] * dinv
    dinv_ref[...] = jnp.broadcast_to(dinv, (BLK, 16))


def _prep_call(x_pad, deg32):
    return pl.pallas_call(
        _prep_body,
        grid=(NPAD // BLK,),
        in_specs=[
            pl.BlockSpec((BLK, D_IN), lambda i: (i, 0)),
            pl.BlockSpec((NW, BLK), lambda i: (0, i)),
        ],
        out_specs=[
            pl.BlockSpec((BLK, D_IN), lambda i: (i, 0)),
            pl.BlockSpec((BLK, 16), lambda i: (i, 0)),
        ],
        out_shape=[
            jax.ShapeDtypeStruct((NPAD, D_IN), jnp.float32),
            jax.ShapeDtypeStruct((NPAD, 16), jnp.float32),
        ],
    )(x_pad, deg32)


def _mlp_body(acc_ref, y_ref, dinv_ref, w1_ref, b1_ref, w2_ref, y2_ref):
    dinv = dinv_ref[:, 0:1]
    a = (acc_ref[...] + y_ref[...]) * dinv
    h = jnp.dot(a, w1_ref[...], preferred_element_type=jnp.float32)
    h = jnp.maximum(h + b1_ref[...], 0.0)
    h2 = jnp.dot(h, w2_ref[...], preferred_element_type=jnp.float32)
    y2_ref[...] = h2 * dinv


def _mlp_call(acc, y, dinv16, W1, b1, W2):
    return pl.pallas_call(
        _mlp_body,
        grid=(NPAD // BLK,),
        in_specs=[
            pl.BlockSpec((BLK, D_IN), lambda i: (i, 0)),
            pl.BlockSpec((BLK, D_IN), lambda i: (i, 0)),
            pl.BlockSpec((BLK, 16), lambda i: (i, 0)),
            pl.BlockSpec((D_IN, D_HID), lambda i: (0, 0)),
            pl.BlockSpec((1, D_HID), lambda i: (0, 0)),
            pl.BlockSpec((D_HID, D_OUT), lambda i: (0, 0)),
        ],
        out_specs=pl.BlockSpec((BLK, D_OUT), lambda i: (i, 0)),
        out_shape=jax.ShapeDtypeStruct((NPAD, D_OUT), jnp.float32),
    )(acc, y, dinv16, W1, b1, W2)


def _final_body(parts_ref, y2_ref, dinv_ref, b2_ref, out_ref):
    dinv = dinv_ref[:, 0:1]
    agg = jnp.sum(parts_ref[...], axis=0)
    v = (agg + y2_ref[...]) * dinv + b2_ref[...]
    m = jnp.max(v, axis=1, keepdims=True)
    lse = jnp.log(jnp.sum(jnp.exp(v - m), axis=1, keepdims=True)) + m
    out_ref[...] = v - lse


def _final_call(acc2_parts, y2, dinv16, b2):
    return pl.pallas_call(
        _final_body,
        grid=(NPAD // BLK,),
        in_specs=[
            pl.BlockSpec((8, BLK, D_OUT), lambda i: (0, i, 0)),
            pl.BlockSpec((BLK, D_OUT), lambda i: (i, 0)),
            pl.BlockSpec((BLK, 16), lambda i: (i, 0)),
            pl.BlockSpec((1, D_OUT), lambda i: (0, 0)),
        ],
        out_specs=pl.BlockSpec((BLK, D_OUT), lambda i: (i, 0)),
        out_shape=jax.ShapeDtypeStruct((NPAD, D_OUT), jnp.float32),
    )(acc2_parts, y2, dinv16, b2)



def kernel(x, edge_index, batch_size, pred_steps, W1, b1, W2, b2):
    x_pad = jnp.pad(x, ((0, NPAD - N), (0, 0)))
    src = edge_index[0]
    dst = edge_index[1]

    deg32 = _deg_call(dst)
    y, dinv16 = _prep_call(x_pad, deg32)

    y32 = jnp.transpose(y.reshape(NPAD, NW, 4), (1, 0, 2)).reshape(NW, NF)
    acc32 = _agg1_call(y32, src, dst)
    acc = jnp.transpose(acc32.reshape(NW, NPAD, 4), (1, 0, 2)).reshape(NPAD, D_IN)

    y2 = _mlp_call(acc, y, dinv16, W1, b1.reshape(1, D_HID), W2)

    y2g = jnp.transpose(y2.reshape(NPAD, 4, 4), (1, 0, 2)).reshape(4, NF)
    acc2_32 = _agg2_call(y2g, src, dst)
    acc2_parts = jnp.transpose(
        acc2_32.reshape(8, 4, NPAD, 4), (0, 2, 1, 3)).reshape(8, NPAD, D_OUT)

    res = _final_call(acc2_parts, y2, dinv16, b2.reshape(1, D_OUT))

    return jnp.broadcast_to(res[:N][None, None], (4, 3, N, D_OUT))

# --- scband reference (transcript-rebuilt; emitter-appended) ---
"""Pipeline reference for scband-gcn-69088843923992 (READ-ONLY COPY).

The authoritative reference and input builder live on the scoring server;
editing this copy changes nothing except your own understanding.
"""

import jax, jax.numpy as jnp
import numpy as np

N = 10000
E = 320000
D_IN = 128
D_HID = 256
D_OUT = 16


def setup_inputs(seed: int = 0) -> dict:
    key = jax.random.key(seed)
    k1, k2, k3, k4, k5, k6 = jax.random.split(key, 6)
    x = jax.random.normal(k1, (N, D_IN), dtype=jnp.float32)
    edge_index = jax.random.randint(k2, (2, E), 0, N, dtype=jnp.int32)
    W1 = jax.random.normal(k3, (D_IN, D_HID), dtype=jnp.float32) * 0.05
    b1 = jnp.zeros((D_HID,), dtype=jnp.float32)
    W2 = jax.random.normal(k4, (D_HID, D_OUT), dtype=jnp.float32) * 0.05
    b2 = jnp.zeros((D_OUT,), dtype=jnp.float32)
    return {
        'x': x,
        'edge_index': edge_index,
        'batch_size': 4,
        'pred_steps': 3,
        'W1': W1, 'b1': b1, 'W2': W2, 'b2': b2,
    }


def gcn_conv(x, edge_index, W, b):
    # PyG-style GCNConv: add self loops, symmetric normalization, linear, aggregate
    n = x.shape[0]
    src = edge_index[0]
    dst = edge_index[1]
    loops = jnp.arange(n, dtype=src.dtype)
    src = jnp.concatenate([src, loops])
    dst = jnp.concatenate([dst, loops])
    deg = jnp.zeros((n,), dtype=x.dtype).at[dst].add(1.0)
    dinv = jnp.where(deg > 0, 1.0 / jnp.sqrt(deg), 0.0)
    norm = dinv[src] * dinv[dst]
    h = x @ W
    msg = h[src] * norm[:, None]
    out = jax.ops.segment_sum(msg, dst, num_segments=n)
    return out + b


def reference(x, edge_index, batch_size, pred_steps, W1, b1, W2, b2):
    h = jax.nn.relu(gcn_conv(x, edge_index, W1, b1))
    # dropout(p=0.5) is identity in eval mode
    h = gcn_conv(h, edge_index, W2, b2)
    h = jax.nn.log_softmax(h, axis=1)
    B = 4
    P = 3
    start0 = jnp.asarray(batch_size, dtype=jnp.int32) - B
    start1 = jnp.asarray(pred_steps, dtype=jnp.int32) - P
    h = jax.lax.dynamic_slice(h, (start0, start1), (h.shape[0], h.shape[1]))
    out = jnp.broadcast_to(h[None, None, :, :], (B, P, h.shape[0], h.shape[1]))
    return out

if __name__ == "__main__":
    import jax
    _d = setup_inputs()
    print(jax.jit(kernel)(*tuple(_d.values())))

</pallas_src>

<mosaic_0001>
#map = affine_map<(d0, d1) -> (0, 0)>
#map1 = affine_map<(d0, d1) -> (0)>
module attributes {stable_mosaic.version = 14 : i64} {
  func.func @_agg2_body(%arg0: i32, %arg1: i32, %arg2: memref<4x40960xf32, #tpu.memory_space<hbm>>, %arg3: memref<320000xi32, #tpu.memory_space<hbm>>, %arg4: memref<320000xi32, #tpu.memory_space<hbm>>, %arg5: memref<32x40960xf32, #tpu.memory_space<hbm>>, %arg6: memref<40960xf32, #tpu.memory_space<vmem>>, %arg7: memref<40960xf32, #tpu.memory_space<vmem>>, %arg8: memref<8000xi32, #tpu.memory_space<vmem>>, %arg9: memref<8000xi32, #tpu.memory_space<vmem>>) attributes {dimension_semantics = [#tpu.dimension_semantics<core_parallel>, #tpu.dimension_semantics<subcore_parallel>], iteration_bounds = array<i64: 2, 16>, scalar_prefetch = 0 : i64, scratch_operands = 4 : i64, tpu.core_type = #tpu.core_type<sc_vector_subcore>, window_params = [{transform_indices = #map}, {transform_indices = #map1}, {transform_indices = #map1}, {transform_indices = #map}]} {
    %mul3A = arith.constant 16 : i32
    %mul3A_0 = arith.muli %arg0, %mul3A : i32
    %add3A = arith.addi %mul3A_0, %arg1 : i32
    %jit3A = arith.constant 4 : i32
    %eq3A = arith.constant 0 : i32
    %eq3A_1 = arith.cmpi eq, %jit3A, %eq3A : i32
    %jit3A_2 = arith.constant 1 : i32
    %select_n3A = arith.select %eq3A_1, %jit3A_2, %jit3A : i32
    %rem3A = arith.remsi %add3A, %select_n3A : i32
    %ne3A = arith.constant 0 : i32
    %ne3A_3 = arith.cmpi ne, %rem3A, %ne3A : i32
    %lt3A = arith.constant 0 : i32
    %lt3A_4 = arith.cmpi slt, %rem3A, %lt3A : i32
    %lt3A_5 = arith.constant 0 : i32
    %lt3A_6 = arith.cmpi slt, %select_n3A, %lt3A_5 : i32
    %ne3A_7 = arith.xori %lt3A_4, %lt3A_6 : i1
    %and3A = arith.andi %ne3A_7, %ne3A_3 : i1
    %add3A_8 = arith.addi %rem3A, %select_n3A : i32
    %select_n3A_9 = arith.select %and3A, %add3A_8, %rem3A : i32
    %jit3A_10 = arith.constant 4 : i32
    %div3A = arith.divsi %add3A, %jit3A_10 : i32
    %sign3A = arith.constant 0 : i32
    %sign3A_11 = arith.cmpi sgt, %add3A, %sign3A : i32
    %sign3A_12 = arith.extui %sign3A_11 : i1 to i32
    %sign3A_13 = arith.constant 0 : i32
    %sign3A_14 = arith.cmpi slt, %add3A, %sign3A_13 : i32
    %sign3A_15 = arith.extui %sign3A_14 : i1 to i32
    %sign3A_16 = arith.subi %sign3A_12, %sign3A_15 : i32
    %sign3A_17 = arith.constant 0 : i32
    %sign3A_18 = arith.cmpi sgt, %jit3A_10, %sign3A_17 : i32
    %sign3A_19 = arith.extui %sign3A_18 : i1 to i32
    %sign3A_20 = arith.constant 0 : i32
    %sign3A_21 = arith.cmpi slt, %jit3A_10, %sign3A_20 : i32
    %sign3A_22 = arith.extui %sign3A_21 : i1 to i32
    %sign3A_23 = arith.subi %sign3A_19, %sign3A_22 : i32
    %ne3A_24 = arith.cmpi ne, %sign3A_16, %sign3A_23 : i32
    %rem3A_25 = arith.remsi %add3A, %jit3A_10 : i32
    %ne3A_26 = arith.constant 0 : i32
    %ne3A_27 = arith.cmpi ne, %rem3A_25, %ne3A_26 : i32
    %and3A_28 = arith.andi %ne3A_24, %ne3A_27 : i1
    %sub3A = arith.constant 1 : i32
    %sub3A_29 = arith.subi %div3A, %sub3A : i32
    %select_n3A_30 = arith.select %and3A_28, %sub3A_29, %div3A : i32
    %mul3A_31 = arith.constant 40000 : i32
    %mul3A_32 = arith.muli %select_n3A_30, %mul3A_31 : i32
    "tpu.region"() ({
      %run_scoped3A = tpu.sem_alloc : memref<!tpu.dma_semaphore, #tpu.memory_space<semaphore_mem>>
      %dma_start3A = arith.constant 0 : i32
      %dma_start3A_44 = tpu.memref_slice %arg2[%select_n3A_9, %dma_start3A] : memref<4x40960xf32, #tpu.memory_space<hbm>> -> memref<1x40960xf32, #tpu.memory_space<hbm>>
      %dma_start3A_45 = tpu.memref_squeeze %dma_start3A_44 : memref<1x40960xf32, #tpu.memory_space<hbm>> -> memref<40960xf32, #tpu.memory_space<hbm>>
      %dma_start3A_46 = arith.constant 0 : i32
      %dma_start3A_47 = tpu.memref_slice %arg2[%select_n3A_9, %dma_start3A_46] : memref<4x40960xf32, #tpu.memory_space<hbm>> -> memref<1x40960xf32, #tpu.memory_space<hbm>>
      %dma_start3A_48 = tpu.memref_squeeze %dma_start3A_47 : memref<1x40960xf32, #tpu.memory_space<hbm>> -> memref<40960xf32, #tpu.memory_space<hbm>>
      tpu.enqueue_dma source(%dma_start3A_48 : memref<40960xf32, #tpu.memory_space<hbm>>) target(%arg6 : memref<40960xf32, #tpu.memory_space<vmem>>) target_semaphore(%run_scoped3A : memref<!tpu.dma_semaphore, #tpu.memory_space<semaphore_mem>>)
      %dma_wait3A = arith.constant 0 : i32
      %dma_wait3A_49 = tpu.memref_slice %arg2[%select_n3A_9, %dma_wait3A] : memref<4x40960xf32, #tpu.memory_space<hbm>> -> memref<1x40960xf32, #tpu.memory_space<hbm>>
      %dma_wait3A_50 = tpu.memref_squeeze %dma_wait3A_49 : memref<1x40960xf32, #tpu.memory_space<hbm>> -> memref<40960xf32, #tpu.memory_space<hbm>>
      %dma_wait3A_51 = arith.constant 0 : i32
      %dma_wait3A_52 = tpu.memref_slice %arg2[%select_n3A_9, %dma_wait3A_51] : memref<4x40960xf32, #tpu.memory_space<hbm>> -> memref<1x40960xf32, #tpu.memory_space<hbm>>
      %dma_wait3A_53 = tpu.memref_squeeze %dma_wait3A_52 : memref<1x40960xf32, #tpu.memory_space<hbm>> -> memref<40960xf32, #tpu.memory_space<hbm>>
      tpu.wait_dma2 semaphore(%run_scoped3A : memref<!tpu.dma_semaphore, #tpu.memory_space<semaphore_mem>>) src(%dma_wait3A_53 : memref<40960xf32, #tpu.memory_space<hbm>>) dst(%arg6 : memref<40960xf32, #tpu.memory_space<vmem>>)
      tpu.yield
    }) : () -> ()
    %scan3A = arith.constant 0 : i32
    %scan3A_33 = arith.constant 0 : i32
    %scan3A_34 = arith.constant 2560 : i32
    %scan3A_35 = arith.addi %scan3A_33, %scan3A_34 : i32
    %scan3A_36 = arith.constant 1 : i32
    scf.for %scan3A_44 = %scan3A_33 to %scan3A_35 step %scan3A_36  : i32 {
      %broadcast_in_dim3A = arith.constant 0.000000e+00 : f32
      %broadcast_in_dim3A_45 = vector.broadcast %broadcast_in_dim3A : f32 to vector<16xf32>
      %mul3A_46 = arith.constant 16 : i32
      %mul3A_47 = arith.muli %scan3A_44, %mul3A_46 : i32
      %swap3A = arith.index_cast %mul3A_47 : i32 to index
      %swap3A_48 = tpu.vector_load %arg7[%swap3A] {strides = array<i32>} : memref<40960xf32, #tpu.memory_space<vmem>>, vector<16xf32>,
      tpu.vector_store %arg7[%swap3A], %broadcast_in_dim3A_45 {strides = array<i32>} : memref<40960xf32, #tpu.memory_space<vmem>>, vector<16xf32>,
    }
    %scan3A_37 = arith.constant 2560 : i32
    %scan3A_38 = arith.constant 0 : i32
    %scan3A_39 = arith.constant 0 : i32
    %scan3A_40 = arith.constant 5 : i32
    %scan3A_41 = arith.addi %scan3A_39, %scan3A_40 : i32
    %scan3A_42 = arith.constant 1 : i32
    scf.for %scan3A_44 = %scan3A_39 to %scan3A_41 step %scan3A_42  : i32 {
      %mul3A_45 = arith.constant 8000 : i32
      %mul3A_46 = arith.muli %scan3A_44, %mul3A_45 : i32
      %add3A_47 = arith.addi %mul3A_32, %mul3A_46 : i32
      "tpu.region"() ({
        %run_scoped3A = tpu.sem_alloc : memref<!tpu.dma_semaphore, #tpu.memory_space<semaphore_mem>>
        %dma_start3A = tpu.memref_slice %arg3[%add3A_47] : memref<320000xi32, #tpu.memory_space<hbm>> -> memref<8000xi32, #tpu.memory_space<hbm>>
        %dma_start3A_56 = tpu.memref_slice %arg3[%add3A_47] : memref<320000xi32, #tpu.memory_space<hbm>> -> memref<8000xi32, #tpu.memory_space<hbm>>
        tpu.enqueue_dma source(%dma_start3A_56 : memref<8000xi32, #tpu.memory_space<hbm>>) target(%arg8 : memref<8000xi32, #tpu.memory_space<vmem>>) target_semaphore(%run_scoped3A : memref<!tpu.dma_semaphore, #tpu.memory_space<semaphore_mem>>)
        %dma_wait3A = tpu.memref_slice %arg3[%add3A_47] : memref<320000xi32, #tpu.memory_space<hbm>> -> memref<8000xi32, #tpu.memory_space<hbm>>
        %dma_wait3A_57 = tpu.memref_slice %arg3[%add3A_47] : memref<320000xi32, #tpu.memory_space<hbm>> -> memref<8000xi32, #tpu.memory_space<hbm>>
        tpu.wait_dma2 semaphore(%run_scoped3A : memref<!tpu.dma_semaphore, #tpu.memory_space<semaphore_mem>>) src(%dma_wait3A_57 : memref<8000xi32, #tpu.memory_space<hbm>>) dst(%arg8 : memref<8000xi32, #tpu.memory_space<vmem>>)
        tpu.yield
      }) : () -> ()
      %mul3A_48 = arith.constant 8000 : i32
      %mul3A_49 = arith.muli %scan3A_44, %mul3A_48 : i32
      %add3A_50 = arith.addi %mul3A_32, %mul3A_49 : i32
      "tpu.region"() ({
        %run_scoped3A = tpu.sem_alloc : memref<!tpu.dma_semaphore, #tpu.memory_space<semaphore_mem>>
        %dma_start3A = tpu.memref_slice %arg4[%add3A_50] : memref<320000xi32, #tpu.memory_space<hbm>> -> memref<8000xi32, #tpu.memory_space<hbm>>
        %dma_start3A_56 = tpu.memref_slice %arg4[%add3A_50] : memref<320000xi32, #tpu.memory_space<hbm>> -> memref<8000xi32, #tpu.memory_space<hbm>>
        tpu.enqueue_dma source(%dma_start3A_56 : memref<8000xi32, #tpu.memory_space<hbm>>) target(%arg9 : memref<8000xi32, #tpu.memory_space<vmem>>) target_semaphore(%run_scoped3A : memref<!tpu.dma_semaphore, #tpu.memory_space<semaphore_mem>>)
        %dma_wait3A = tpu.memref_slice %arg4[%add3A_50] : memref<320000xi32, #tpu.memory_space<hbm>> -> memref<8000xi32, #tpu.memory_space<hbm>>
        %dma_wait3A_57 = tpu.memref_slice %arg4[%add3A_50] : memref<320000xi32, #tpu.memory_space<hbm>> -> memref<8000xi32, #tpu.memory_space<hbm>>
        tpu.wait_dma2 semaphore(%run_scoped3A : memref<!tpu.dma_semaphore, #tpu.memory_space<semaphore_mem>>) src(%dma_wait3A_57 : memref<8000xi32, #tpu.memory_space<hbm>>) dst(%arg9 : memref<8000xi32, #tpu.memory_space<vmem>>)
        tpu.yield
      }) : () -> ()
      %scan3A_51 = arith.constant 0 : i32
      %scan3A_52 = arith.constant 500 : i32
      %scan3A_53 = arith.addi %scan3A_51, %scan3A_52 : i32
      %scan3A_54 = arith.constant 4 : i32
      scf.for %scan3A_56 = %scan3A_51 to %scan3A_53 step %scan3A_54  : i32 {
        %mul3A_57 = arith.constant 16 : i32
        %mul3A_58 = arith.muli %scan3A_56, %mul3A_57 : i32
        %get3A = arith.index_cast %mul3A_58 : i32 to index
        %get3A_59 = tpu.vector_load %arg8[%get3A] {strides = array<i32>} : memref<8000xi32, #tpu.memory_space<vmem>>, vector<16xi32>,
        %mul3A_60 = arith.constant 4 : i32
        %mul3A_61 = vector.broadcast %mul3A_60 : i32 to vector<16xi32>
        %mul3A_62 = arith.muli %get3A_59, %mul3A_61 : vector<16xi32>
        %mul3A_63 = arith.constant 16 : i32
        %mul3A_64 = arith.muli %scan3A_56, %mul3A_63 : i32
        %get3A_65 = arith.index_cast %mul3A_64 : i32 to index
        %get3A_66 = tpu.vector_load %arg9[%get3A_65] {strides = array<i32>} : memref<8000xi32, #tpu.memory_space<vmem>>, vector<16xi32>,
        %mul3A_67 = arith.constant 4 : i32
        %mul3A_68 = vector.broadcast %mul3A_67 : i32 to vector<16xi32>
        %mul3A_69 = arith.muli %get3A_66, %mul3A_68 : vector<16xi32>
        %add3A_70 = arith.constant 0 : i32
        %add3A_71 = vector.broadcast %add3A_70 : i32 to vector<16xi32>
        %add3A_72 = arith.addi %mul3A_62, %add3A_71 : vector<16xi32>
        %gather3A = tpu.vector_load_idx %arg6[%add3A_72] : memref<40960xf32, #tpu.memory_space<vmem>>[vector<16xi32>], vector<16xf32>,
        %add3A_73 = arith.constant 0 : i32
        %add3A_74 = vector.broadcast %add3A_73 : i32 to vector<16xi32>
        %add3A_75 = arith.addi %mul3A_69, %add3A_74 : vector<16xi32>
        tpu.vector_store_idx %arg7[%add3A_75], %gather3A {add = true} : memref<40960xf32, #tpu.memory_space<vmem>>[vector<16xi32>], vector<16xf32>,
        %add3A_76 = arith.constant 1 : i32
        %add3A_77 = vector.broadcast %add3A_76 : i32 to vector<16xi32>
        %add3A_78 = arith.addi %mul3A_62, %add3A_77 : vector<16xi32>
        %gather3A_79 = tpu.vector_load_idx %arg6[%add3A_78] : memref<40960xf32, #tpu.memory_space<vmem>>[vector<16xi32>], vector<16xf32>,
        %add3A_80 = arith.constant 1 : i32
        %add3A_81 = vector.broadcast %add3A_80 : i32 to vector<16xi32>
        %add3A_82 = arith.addi %mul3A_69, %add3A_81 : vector<16xi32>
        tpu.vector_store_idx %arg7[%add3A_82], %gather3A_79 {add = true} : memref<40960xf32, #tpu.memory_space<vmem>>[vector<16xi32>], vector<16xf32>,
        %add3A_83 = arith.constant 2 : i32
        %add3A_84 = vector.broadcast %add3A_83 : i32 to vector<16xi32>
        %add3A_85 = arith.addi %mul3A_62, %add3A_84 : vector<16xi32>
        %gather3A_86 = tpu.vector_load_idx %arg6[%add3A_85] : memref<40960xf32, #tpu.memory_space<vmem>>[vector<16xi32>], vector<16xf32>,
        %add3A_87 = arith.constant 2 : i32
        %add3A_88 = vector.broadcast %add3A_87 : i32 to vector<16xi32>
        %add3A_89 = arith.addi %mul3A_69, %add3A_88 : vector<16xi32>
        tpu.vector_store_idx %arg7[%add3A_89], %gather3A_86 {add = true} : memref<40960xf32, #tpu.memory_space<vmem>>[vector<16xi32>], vector<16xf32>,
        %add3A_90 = arith.constant 3 : i32
        %add3A_91 = vector.broadcast %add3A_90 : i32 to vector<16xi32>
        %add3A_92 = arith.addi %mul3A_62, %add3A_91 : vector<16xi32>
        %gather3A_93 = tpu.vector_load_idx %arg6[%add3A_92] : memref<40960xf32, #tpu.memory_space<vmem>>[vector<16xi32>], vector<16xf32>,
        %add3A_94 = arith.constant 3 : i32
        %add3A_95 = vector.broadcast %add3A_94 : i32 to vector<16xi32>
        %add3A_96 = arith.addi %mul3A_69, %add3A_95 : vector<16xi32>
        tpu.vector_store_idx %arg7[%add3A_96], %gather3A_93 {add = true} : memref<40960xf32, #tpu.memory_space<vmem>>[vector<16xi32>], vector<16xf32>,
        %scan3A_97 = arith.constant 1 : i32
        %scan3A_98 = arith.addi %scan3A_56, %scan3A_97 : i32
        %mul3A_99 = arith.constant 16 : i32
        %mul3A_100 = arith.muli %scan3A_98, %mul3A_99 : i32
        %get3A_101 = arith.index_cast %mul3A_100 : i32 to index
        %get3A_102 = tpu.vector_load %arg8[%get3A_101] {strides = array<i32>} : memref<8000xi32, #tpu.memory_space<vmem>>, vector<16xi32>,
        %mul3A_103 = arith.constant 4 : i32
        %mul3A_104 = vector.broadcast %mul3A_103 : i32 to vector<16xi32>
        %mul3A_105 = arith.muli %get3A_102, %mul3A_104 : vector<16xi32>
        %mul3A_106 = arith.constant 16 : i32
        %mul3A_107 = arith.muli %scan3A_98, %mul3A_106 : i32
        %get3A_108 = arith.index_cast %mul3A_107 : i32 to index
        %get3A_109 = tpu.vector_load %arg9[%get3A_108] {strides = array<i32>} : memref<8000xi32, #tpu.memory_space<vmem>>, vector<16xi32>,
        %mul3A_110 = arith.constant 4 : i32
        %mul3A_111 = vector.broadcast %mul3A_110 : i32 to vector<16xi32>
        %mul3A_112 = arith.muli %get3A_109, %mul3A_111 : vector<16xi32>
        %add3A_113 = arith.constant 0 : i32
        %add3A_114 = vector.broadcast %add3A_113 : i32 to vector<16xi32>
        %add3A_115 = arith.addi %mul3A_105, %add3A_114 : vector<16xi32>
        %gather3A_116 = tpu.vector_load_idx %arg6[%add3A_115] : memref<40960xf32, #tpu.memory_space<vmem>>[vector<16xi32>], vector<16xf32>,
        %add3A_117 = arith.constant 0 : i32
        %add3A_118 = vector.broadcast %add3A_117 : i32 to vector<16xi32>
        %add3A_119 = arith.addi %mul3A_112, %add3A_118 : vector<16xi32>
        tpu.vector_store_idx %arg7[%add3A_119], %gather3A_116 {add = true} : memref<40960xf32, #tpu.memory_space<vmem>>[vector<16xi32>], vector<16xf32>,
        %add3A_120 = arith.constant 1 : i32
        %add3A_121 = vector.broadcast %add3A_120 : i32 to vector<16xi32>
        %add3A_122 = arith.addi %mul3A_105, %add3A_121 : vector<16xi32>
        %gather3A_123 = tpu.vector_load_idx %arg6[%add3A_122] : memref<40960xf32, #tpu.memory_space<vmem>>[vector<16xi32>], vector<16xf32>,
        %add3A_124 = arith.constant 1 : i32
        %add3A_125 = vector.broadcast %add3A_124 : i32 to vector<16xi32>
        %add3A_126 = arith.addi %mul3A_112, %add3A_125 : vector<16xi32>
        tpu.vector_store_idx %arg7[%add3A_126], %gather3A_123 {add = true} : memref<40960xf32, #tpu.memory_space<vmem>>[vector<16xi32>], vector<16xf32>,
        %add3A_127 = arith.constant 2 : i32
        %add3A_128 = vector.broadcast %add3A_127 : i32 to vector<16xi32>
        %add3A_129 = arith.addi %mul3A_105, %add3A_128 : vector<16xi32>
        %gather3A_130 = tpu.vector_load_idx %arg6[%add3A_129] : memref<40960xf32, #tpu.memory_space<vmem>>[vector<16xi32>], vector<16xf32>,
        %add3A_131 = arith.constant 2 : i32
        %add3A_132 = vector.broadcast %add3A_131 : i32 to vector<16xi32>
        %add3A_133 = arith.addi %mul3A_112, %add3A_132 : vector<16xi32>
        tpu.vector_store_idx %arg7[%add3A_133], %gather3A_130 {add = true} : memref<40960xf32, #tpu.memory_space<vmem>>[vector<16xi32>], vector<16xf32>,
        %add3A_134 = arith.constant 3 : i32
        %add3A_135 = vector.broadcast %add3A_134 : i32 to vector<16xi32>
        %add3A_136 = arith.addi %mul3A_105, %add3A_135 : vector<16xi32>
        %gather3A_137 = tpu.vector_load_idx %arg6[%add3A_136] : memref<40960xf32, #tpu.memory_space<vmem>>[vector<16xi32>], vector<16xf32>,
        %add3A_138 = arith.constant 3 : i32
        %add3A_139 = vector.broadcast %add3A_138 : i32 to vector<16xi32>
        %add3A_140 = arith.addi %mul3A_112, %add3A_139 : vector<16xi32>
        tpu.vector_store_idx %arg7[%add3A_140], %gather3A_137 {add = true} : memref<40960xf32, #tpu.memory_space<vmem>>[vector<16xi32>], vector<16xf32>,
        %scan3A_141 = arith.constant 2 : i32
        %scan3A_142 = arith.addi %scan3A_56, %scan3A_141 : i32
        %mul3A_143 = arith.constant 16 : i32
        %mul3A_144 = arith.muli %scan3A_142, %mul3A_143 : i32
        %get3A_145 = arith.index_cast %mul3A_144 : i32 to index
        %get3A_146 = tpu.vector_load %arg8[%get3A_145] {strides = array<i32>} : memref<8000xi32, #tpu.memory_space<vmem>>, vector<16xi32>,
        %mul3A_147 = arith.constant 4 : i32
        %mul3A_148 = vector.broadcast %mul3A_147 : i32 to vector<16xi32>
        %mul3A_149 = arith.muli %get3A_146, %mul3A_148 : vector<16xi32>
        %mul3A_150 = arith.constant 16 : i32
        %mul3A_151 = arith.muli %scan3A_142, %mul3A_150 : i32
        %get3A_152 = arith.index_cast %mul3A_151 : i32 to index
        %get3A_153 = tpu.vector_load %arg9[%get3A_152] {strides = array<i32>} : memref<8000xi32, #tpu.memory_space<vmem>>, vector<16xi32>,
        %mul3A_154 = arith.constant 4 : i32
        %mul3A_155 = vector.broadcast %mul3A_154 : i32 to vector<16xi32>
        %mul3A_156 = arith.muli %get3A_153, %mul3A_155 : vector<16xi32>
        %add3A_157 = arith.constant 0 : i32
        %add3A_158 = vector.broadcast %add3A_157 : i32 to vector<16xi32>
        %add3A_159 = arith.addi %mul3A_149, %add3A_158 : vector<16xi32>
        %gather3A_160 = tpu.vector_load_idx %arg6[%add3A_159] : memref<40960xf32, #tpu.memory_space<vmem>>[vector<16xi32>], vector<16xf32>,
        %add3A_161 = arith.constant 0 : i32
        %add3A_162 = vector.broadcast %add3A_161 : i32 to vector<16xi32>
        %add3A_163 = arith.addi %mul3A_156, %add3A_162 : vector<16xi32>
        tpu.vector_store_idx %arg7[%add3A_163], %gather3A_160 {add = true} : memref<40960xf32, #tpu.memory_space<vmem>>[vector<16xi32>], vector<16xf32>,
        %add3A_164 = arith.constant 1 : i32
        %add3A_165 = vector.broadcast %add3A_164 : i32 to vector<16xi32>
        %add3A_166 = arith.addi %mul3A_149, %add3A_165 : vector<16xi32>
        %gather3A_167 = tpu.vector_load_idx %arg6[%add3A_166] : memref<40960xf32, #tpu.memory_space<vmem>>[vector<16xi32>], vector<16xf32>,
        %add3A_168 = arith.constant 1 : i32
        %add3A_169 = vector.broadcast %add3A_168 : i32 to vector<16xi32>
        %add3A_170 = arith.addi %mul3A_156, %add3A_169 : vector<16xi32>
        tpu.vector_store_idx %arg7[%add3A_170], %gather3A_167 {add = true} : memref<40960xf32, #tpu.memory_space<vmem>>[vector<16xi32>], vector<16xf32>,
        %add3A_171 = arith.constant 2 : i32
        %add3A_172 = vector.broadcast %add3A_171 : i32 to vector<16xi32>
        %add3A_173 = arith.addi %mul3A_149, %add3A_172 : vector<16xi32>
        %gather3A_174 = tpu.vector_load_idx %arg6[%add3A_173] : memref<40960xf32, #tpu.memory_space<vmem>>[vector<16xi32>], vector<16xf32>,
        %add3A_175 = arith.constant 2 : i32
        %add3A_176 = vector.broadcast %add3A_175 : i32 to vector<16xi32>
        %add3A_177 = arith.addi %mul3A_156, %add3A_176 : vector<16xi32>
        tpu.vector_store_idx %arg7[%add3A_177], %gather3A_174 {add = true} : memref<40960xf32, #tpu.memory_space<vmem>>[vector<16xi32>], vector<16xf32>,
        %add3A_178 = arith.constant 3 : i32
        %add3A_179 = vector.broadcast %add3A_178 : i32 to vector<16xi32>
        %add3A_180 = arith.addi %mul3A_149, %add3A_179 : vector<16xi32>
        %gather3A_181 = tpu.vector_load_idx %arg6[%add3A_180] : memref<40960xf32, #tpu.memory_space<vmem>>[vector<16xi32>], vector<16xf32>,
        %add3A_182 = arith.constant 3 : i32
        %add3A_183 = vector.broadcast %add3A_182 : i32 to vector<16xi32>
        %add3A_184 = arith.addi %mul3A_156, %add3A_183 : vector<16xi32>
        tpu.vector_store_idx %arg7[%add3A_184], %gather3A_181 {add = true} : memref<40960xf32, #tpu.memory_space<vmem>>[vector<16xi32>], vector<16xf32>,
        %scan3A_185 = arith.constant 3 : i32
        %scan3A_186 = arith.addi %scan3A_56, %scan3A_185 : i32
        %mul3A_187 = arith.constant 16 : i32
        %mul3A_188 = arith.muli %scan3A_186, %mul3A_187 : i32
        %get3A_189 = arith.index_cast %mul3A_188 : i32 to index
        %get3A_190 = tpu.vector_load %arg8[%get3A_189] {strides = array<i32>} : memref<8000xi32, #tpu.memory_space<vmem>>, vector<16xi32>,
        %mul3A_191 = arith.constant 4 : i32
        %mul3A_192 = vector.broadcast %mul3A_191 : i32 to vector<16xi32>
        %mul3A_193 = arith.muli %get3A_190, %mul3A_192 : vector<16xi32>
        %mul3A_194 = arith.constant 16 : i32
        %mul3A_195 = arith.muli %scan3A_186, %mul3A_194 : i32
        %get3A_196 = arith.index_cast %mul3A_195 : i32 to index
        %get3A_197 = tpu.vector_load %arg9[%get3A_196] {strides = array<i32>} : memref<8000xi32, #tpu.memory_space<vmem>>, vector<16xi32>,
        %mul3A_198 = arith.constant 4 : i32
        %mul3A_199 = vector.broadcast %mul3A_198 : i32 to vector<16xi32>
        %mul3A_200 = arith.muli %get3A_197, %mul3A_199 : vector<16xi32>
        %add3A_201 = arith.constant 0 : i32
        %add3A_202 = vector.broadcast %add3A_201 : i32 to vector<16xi32>
        %add3A_203 = arith.addi %mul3A_193, %add3A_202 : vector<16xi32>
        %gather3A_204 = tpu.vector_load_idx %arg6[%add3A_203] : memref<40960xf32, #tpu.memory_space<vmem>>[vector<16xi32>], vector<16xf32>,
        %add3A_205 = arith.constant 0 : i32
        %add3A_206 = vector.broadcast %add3A_205 : i32 to vector<16xi32>
        %add3A_207 = arith.addi %mul3A_200, %add3A_206 : vector<16xi32>
        tpu.vector_store_idx %arg7[%add3A_207], %gather3A_204 {add = true} : memref<40960xf32, #tpu.memory_space<vmem>>[vector<16xi32>], vector<16xf32>,
        %add3A_208 = arith.constant 1 : i32
        %add3A_209 = vector.broadcast %add3A_208 : i32 to vector<16xi32>
        %add3A_210 = arith.addi %mul3A_193, %add3A_209 : vector<16xi32>
        %gather3A_211 = tpu.vector_load_idx %arg6[%add3A_210] : memref<40960xf32, #tpu.memory_space<vmem>>[vector<16xi32>], vector<16xf32>,
        %add3A_212 = arith.constant 1 : i32
        %add3A_213 = vector.broadcast %add3A_212 : i32 to vector<16xi32>
        %add3A_214 = arith.addi %mul3A_200, %add3A_213 : vector<16xi32>
        tpu.vector_store_idx %arg7[%add3A_214], %gather3A_211 {add = true} : memref<40960xf32, #tpu.memory_space<vmem>>[vector<16xi32>], vector<16xf32>,
        %add3A_215 = arith.constant 2 : i32
        %add3A_216 = vector.broadcast %add3A_215 : i32 to vector<16xi32>
        %add3A_217 = arith.addi %mul3A_193, %add3A_216 : vector<16xi32>
        %gather3A_218 = tpu.vector_load_idx %arg6[%add3A_217] : memref<40960xf32, #tpu.memory_space<vmem>>[vector<16xi32>], vector<16xf32>,
        %add3A_219 = arith.constant 2 : i32
        %add3A_220 = vector.broadcast %add3A_219 : i32 to vector<16xi32>
        %add3A_221 = arith.addi %mul3A_200, %add3A_220 : vector<16xi32>
        tpu.vector_store_idx %arg7[%add3A_221], %gather3A_218 {add = true} : memref<40960xf32, #tpu.memory_space<vmem>>[vector<16xi32>], vector<16xf32>,
        %add3A_222 = arith.constant 3 : i32
        %add3A_223 = vector.broadcast %add3A_222 : i32 to vector<16xi32>
        %add3A_224 = arith.addi %mul3A_193, %add3A_223 : vector<16xi32>
        %gather3A_225 = tpu.vector_load_idx %arg6[%add3A_224] : memref<40960xf32, #tpu.memory_space<vmem>>[vector<16xi32>], vector<16xf32>,
        %add3A_226 = arith.constant 3 : i32
        %add3A_227 = vector.broadcast %add3A_226 : i32 to vector<16xi32>
        %add3A_228 = arith.addi %mul3A_200, %add3A_227 : vector<16xi32>
        tpu.vector_store_idx %arg7[%add3A_228], %gather3A_225 {add = true} : memref<40960xf32, #tpu.memory_space<vmem>>[vector<16xi32>], vector<16xf32>,
      }
      %scan3A_55 = arith.constant 500 : i32
    }
    %scan3A_43 = arith.constant 5 : i32
    "tpu.region"() ({
      %run_scoped3A = tpu.sem_alloc : memref<!tpu.dma_semaphore, #tpu.memory_space<semaphore_mem>>
      %dma_start3A = arith.constant 0 : i32
      %dma_start3A_44 = tpu.memref_slice %arg5[%add3A, %dma_start3A] : memref<32x40960xf32, #tpu.memory_space<hbm>> -> memref<1x40960xf32, #tpu.memory_space<hbm>>
      %dma_start3A_45 = tpu.memref_squeeze %dma_start3A_44 : memref<1x40960xf32, #tpu.memory_space<hbm>> -> memref<40960xf32, #tpu.memory_space<hbm>>
      %dma_start3A_46 = arith.constant 0 : i32
      %dma_start3A_47 = tpu.memref_slice %arg5[%add3A, %dma_start3A_46] : memref<32x40960xf32, #tpu.memory_space<hbm>> -> memref<1x40960xf32, #tpu.memory_space<hbm>>
      %dma_start3A_48 = tpu.memref_squeeze %dma_start3A_47 : memref<1x40960xf32, #tpu.memory_space<hbm>> -> memref<40960xf32, #tpu.memory_space<hbm>>
      tpu.enqueue_dma source(%arg7 : memref<40960xf32, #tpu.memory_space<vmem>>) target(%dma_start3A_48 : memref<40960xf32, #tpu.memory_space<hbm>>) target_semaphore(%run_scoped3A : memref<!tpu.dma_semaphore, #tpu.memory_space<semaphore_mem>>)
      %dma_wait3A = arith.constant 0 : i32
      %dma_wait3A_49 = tpu.memref_slice %arg5[%add3A, %dma_wait3A] : memref<32x40960xf32, #tpu.memory_space<hbm>> -> memref<1x40960xf32, #tpu.memory_space<hbm>>
      %dma_wait3A_50 = tpu.memref_squeeze %dma_wait3A_49 : memref<1x40960xf32, #tpu.memory_space<hbm>> -> memref<40960xf32, #tpu.memory_space<hbm>>
      %dma_wait3A_51 = arith.constant 0 : i32
      %dma_wait3A_52 = tpu.memref_slice %arg5[%add3A, %dma_wait3A_51] : memref<32x40960xf32, #tpu.memory_space<hbm>> -> memref<1x40960xf32, #tpu.memory_space<hbm>>
      %dma_wait3A_53 = tpu.memref_squeeze %dma_wait3A_52 : memref<1x40960xf32, #tpu.memory_space<hbm>> -> memref<40960xf32, #tpu.memory_space<hbm>>
      tpu.wait_dma2 semaphore(%run_scoped3A : memref<!tpu.dma_semaphore, #tpu.memory_space<semaphore_mem>>) src(%arg7 : memref<40960xf32, #tpu.memory_space<vmem>>) dst(%dma_wait3A_53 : memref<40960xf32, #tpu.memory_space<hbm>>)
      tpu.yield
    }) : () -> ()
    return
  }
}

#map = affine_map<(d0, d1) -> (0)>
#map1 = affine_map<(d0, d1) -> (0, 0)>
module attributes {stable_mosaic.version = 14 : i64} {
  func.func @_deg_body(%arg0: i32, %arg1: i32, %arg2: memref<320000xi32, #tpu.memory_space<hbm>>, %arg3: memref<32x10240xf32, #tpu.memory_space<hbm>>, %arg4: memref<10000xi32, #tpu.memory_space<vmem>>, %arg5: memref<10240xf32, #tpu.memory_space<vmem>>) attributes {dimension_semantics = [#tpu.dimension_semantics<core_parallel>, #tpu.dimension_semantics<subcore_parallel>], iteration_bounds = array<i64: 2, 16>, scalar_prefetch = 0 : i64, scratch_operands = 2 : i64, tpu.core_type = #tpu.core_type<sc_vector_subcore>, window_params = [{transform_indices = #map}, {transform_indices = #map1}]} {
    %mul3A = arith.constant 16 : i32
    %mul3A_0 = arith.muli %arg0, %mul3A : i32
    %add3A = arith.addi %mul3A_0, %arg1 : i32
    %mul3A_1 = arith.constant 10000 : i32
    %mul3A_2 = arith.muli %add3A, %mul3A_1 : i32
    "tpu.region"() ({
      %run_scoped3A = tpu.sem_alloc : memref<!tpu.dma_semaphore, #tpu.memory_space<semaphore_mem>>
      %dma_start3A = tpu.memref_slice %arg2[%mul3A_2] : memref<320000xi32, #tpu.memory_space<hbm>> -> memref<10000xi32, #tpu.memory_space<hbm>>
      %dma_start3A_20 = tpu.memref_slice %arg2[%mul3A_2] : memref<320000xi32, #tpu.memory_space<hbm>> -> memref<10000xi32, #tpu.memory_space<hbm>>
      tpu.enqueue_dma source(%dma_start3A_20 : memref<10000xi32, #tpu.memory_space<hbm>>) target(%arg4 : memref<10000xi32, #tpu.memory_space<vmem>>) target_semaphore(%run_scoped3A : memref<!tpu.dma_semaphore, #tpu.memory_space<semaphore_mem>>)
      %dma_wait3A = tpu.memref_slice %arg2[%mul3A_2] : memref<320000xi32, #tpu.memory_space<hbm>> -> memref<10000xi32, #tpu.memory_space<hbm>>
      %dma_wait3A_21 = tpu.memref_slice %arg2[%mul3A_2] : memref<320000xi32, #tpu.memory_space<hbm>> -> memref<10000xi32, #tpu.memory_space<hbm>>
      tpu.wait_dma2 semaphore(%run_scoped3A : memref<!tpu.dma_semaphore, #tpu.memory_space<semaphore_mem>>) src(%dma_wait3A_21 : memref<10000xi32, #tpu.memory_space<hbm>>) dst(%arg4 : memref<10000xi32, #tpu.memory_space<vmem>>)
      tpu.yield
    }) : () -> ()
    %scan3A = arith.constant 0 : i32
    %scan3A_3 = arith.constant 0 : i32
    %scan3A_4 = arith.constant 640 : i32
    %scan3A_5 = arith.addi %scan3A_3, %scan3A_4 : i32
    %scan3A_6 = arith.constant 1 : i32
    scf.for %scan3A_20 = %scan3A_3 to %scan3A_5 step %scan3A_6  : i32 {
      %broadcast_in_dim3A_21 = arith.constant 0.000000e+00 : f32
      %broadcast_in_dim3A_22 = vector.broadcast %broadcast_in_dim3A_21 : f32 to vector<16xf32>
      %mul3A_23 = arith.constant 16 : i32
      %mul3A_24 = arith.muli %scan3A_20, %mul3A_23 : i32
      %swap3A = arith.index_cast %mul3A_24 : i32 to index
      %swap3A_25 = tpu.vector_load %arg5[%swap3A] {strides = array<i32>} : memref<10240xf32, #tpu.memory_space<vmem>>, vector<16xf32>,
      tpu.vector_store %arg5[%swap3A], %broadcast_in_dim3A_22 {strides = array<i32>} : memref<10240xf32, #tpu.memory_space<vmem>>, vector<16xf32>,
    }
    %scan3A_7 = arith.constant 640 : i32
    %scan3A_8 = arith.constant 0 : i32
    %scan3A_9 = arith.constant 0 : i32
    %scan3A_10 = arith.constant 624 : i32
    %scan3A_11 = arith.addi %scan3A_9, %scan3A_10 : i32
    %scan3A_12 = arith.constant 8 : i32
    scf.for %scan3A_20 = %scan3A_9 to %scan3A_11 step %scan3A_12  : i32 {
      %mul3A_21 = arith.constant 16 : i32
      %mul3A_22 = arith.muli %scan3A_20, %mul3A_21 : i32
      %get3A_23 = arith.index_cast %mul3A_22 : i32 to index
      %get3A_24 = tpu.vector_load %arg4[%get3A_23] {strides = array<i32>} : memref<10000xi32, #tpu.memory_space<vmem>>, vector<16xi32>,
      %broadcast_in_dim3A_25 = arith.constant 1.000000e+00 : f32
      %broadcast_in_dim3A_26 = vector.broadcast %broadcast_in_dim3A_25 : f32 to vector<16xf32>
      tpu.vector_store_idx %arg5[%get3A_24], %broadcast_in_dim3A_26 {add = true} : memref<10240xf32, #tpu.memory_space<vmem>>[vector<16xi32>], vector<16xf32>,
      %scan3A_27 = arith.constant 1 : i32
      %scan3A_28 = arith.addi %scan3A_20, %scan3A_27 : i32
      %mul3A_29 = arith.constant 16 : i32
      %mul3A_30 = arith.muli %scan3A_28, %mul3A_29 : i32
      %get3A_31 = arith.index_cast %mul3A_30 : i32 to index
      %get3A_32 = tpu.vector_load %arg4[%get3A_31] {strides = array<i32>} : memref<10000xi32, #tpu.memory_space<vmem>>, vector<16xi32>,
      %broadcast_in_dim3A_33 = arith.constant 1.000000e+00 : f32
      %broadcast_in_dim3A_34 = vector.broadcast %broadcast_in_dim3A_33 : f32 to vector<16xf32>
      tpu.vector_store_idx %arg5[%get3A_32], %broadcast_in_dim3A_34 {add = true} : memref<10240xf32, #tpu.memory_space<vmem>>[vector<16xi32>], vector<16xf32>,
      %scan3A_35 = arith.constant 2 : i32
      %scan3A_36 = arith.addi %scan3A_20, %scan3A_35 : i32
      %mul3A_37 = arith.constant 16 : i32
      %mul3A_38 = arith.muli %scan3A_36, %mul3A_37 : i32
      %get3A_39 = arith.index_cast %mul3A_38 : i32 to index
      %get3A_40 = tpu.vector_load %arg4[%get3A_39] {strides = array<i32>} : memref<10000xi32, #tpu.memory_space<vmem>>, vector<16xi32>,
      %broadcast_in_dim3A_41 = arith.constant 1.000000e+00 : f32
      %broadcast_in_dim3A_42 = vector.broadcast %broadcast_in_dim3A_41 : f32 to vector<16xf32>
      tpu.vector_store_idx %arg5[%get3A_40], %broadcast_in_dim3A_42 {add = true} : memref<10240xf32, #tpu.memory_space<vmem>>[vector<16xi32>], vector<16xf32>,
      %scan3A_43 = arith.constant 3 : i32
      %scan3A_44 = arith.addi %scan3A_20, %scan3A_43 : i32
      %mul3A_45 = arith.constant 16 : i32
      %mul3A_46 = arith.muli %scan3A_44, %mul3A_45 : i32
      %get3A_47 = arith.index_cast %mul3A_46 : i32 to index
      %get3A_48 = tpu.vector_load %arg4[%get3A_47] {strides = array<i32>} : memref<10000xi32, #tpu.memory_space<vmem>>, vector<16xi32>,
      %broadcast_in_dim3A_49 = arith.constant 1.000000e+00 : f32
      %broadcast_in_dim3A_50 = vector.broadcast %broadcast_in_dim3A_49 : f32 to vector<16xf32>
      tpu.vector_store_idx %arg5[%get3A_48], %broadcast_in_dim3A_50 {add = true} : memref<10240xf32, #tpu.memory_space<vmem>>[vector<16xi32>], vector<16xf32>,
      %scan3A_51 = arith.constant 4 : i32
      %scan3A_52 = arith.addi %scan3A_20, %scan3A_51 : i32
      %mul3A_53 = arith.constant 16 : i32
      %mul3A_54 = arith.muli %scan3A_52, %mul3A_53 : i32
      %get3A_55 = arith.index_cast %mul3A_54 : i32 to index
      %get3A_56 = tpu.vector_load %arg4[%get3A_55] {strides = array<i32>} : memref<10000xi32, #tpu.memory_space<vmem>>, vector<16xi32>,
      %broadcast_in_dim3A_57 = arith.constant 1.000000e+00 : f32
      %broadcast_in_dim3A_58 = vector.broadcast %broadcast_in_dim3A_57 : f32 to vector<16xf32>
      tpu.vector_store_idx %arg5[%get3A_56], %broadcast_in_dim3A_58 {add = true} : memref<10240xf32, #tpu.memory_space<vmem>>[vector<16xi32>], vector<16xf32>,
      %scan3A_59 = arith.constant 5 : i32
      %scan3A_60 = arith.addi %scan3A_20, %scan3A_59 : i32
      %mul3A_61 = arith.constant 16 : i32
      %mul3A_62 = arith.muli %scan3A_60, %mul3A_61 : i32
      %get3A_63 = arith.index_cast %mul3A_62 : i32 to index
      %get3A_64 = tpu.vector_load %arg4[%get3A_63] {strides = array<i32>} : memref<10000xi32, #tpu.memory_space<vmem>>, vector<16xi32>,
      %broadcast_in_dim3A_65 = arith.constant 1.000000e+00 : f32
      %broadcast_in_dim3A_66 = vector.broadcast %broadcast_in_dim3A_65 : f32 to vector<16xf32>
      tpu.vector_store_idx %arg5[%get3A_64], %broadcast_in_dim3A_66 {add = true} : memref<10240xf32, #tpu.memory_space<vmem>>[vector<16xi32>], vector<16xf32>,
      %scan3A_67 = arith.constant 6 : i32
      %scan3A_68 = arith.addi %scan3A_20, %scan3A_67 : i32
      %mul3A_69 = arith.constant 16 : i32
      %mul3A_70 = arith.muli %scan3A_68, %mul3A_69 : i32
      %get3A_71 = arith.index_cast %mul3A_70 : i32 to index
      %get3A_72 = tpu.vector_load %arg4[%get3A_71] {strides = array<i32>} : memref<10000xi32, #tpu.memory_space<vmem>>, vector<16xi32>,
      %broadcast_in_dim3A_73 = arith.constant 1.000000e+00 : f32
      %broadcast_in_dim3A_74 = vector.broadcast %broadcast_in_dim3A_73 : f32 to vector<16xf32>
      tpu.vector_store_idx %arg5[%get3A_72], %broadcast_in_dim3A_74 {add = true} : memref<10240xf32, #tpu.memory_space<vmem>>[vector<16xi32>], vector<16xf32>,
      %scan3A_75 = arith.constant 7 : i32
      %scan3A_76 = arith.addi %scan3A_20, %scan3A_75 : i32
      %mul3A_77 = arith.constant 16 : i32
      %mul3A_78 = arith.muli %scan3A_76, %mul3A_77 : i32
      %get3A_79 = arith.index_cast %mul3A_78 : i32 to index
      %get3A_80 = tpu.vector_load %arg4[%get3A_79] {strides = array<i32>} : memref<10000xi32, #tpu.memory_space<vmem>>, vector<16xi32>,
      %broadcast_in_dim3A_81 = arith.constant 1.000000e+00 : f32
      %broadcast_in_dim3A_82 = vector.broadcast %broadcast_in_dim3A_81 : f32 to vector<16xf32>
      tpu.vector_store_idx %arg5[%get3A_80], %broadcast_in_dim3A_82 {add = true} : memref<10240xf32, #tpu.memory_space<vmem>>[vector<16xi32>], vector<16xf32>,
    }
    %scan3A_13 = arith.constant 624 : i32
    %scan3A_14 = arith.addi %scan3A_9, %scan3A_13 : i32
    %mul3A_15 = arith.constant 16 : i32
    %mul3A_16 = arith.muli %scan3A_14, %mul3A_15 : i32
    %get3A = arith.index_cast %mul3A_16 : i32 to index
    %get3A_17 = tpu.vector_load %arg4[%get3A] {strides = array<i32>} : memref<10000xi32, #tpu.memory_space<vmem>>, vector<16xi32>,
    %broadcast_in_dim3A = arith.constant 1.000000e+00 : f32
    %broadcast_in_dim3A_18 = vector.broadcast %broadcast_in_dim3A : f32 to vector<16xf32>
    tpu.vector_store_idx %arg5[%get3A_17], %broadcast_in_dim3A_18 {add = true} : memref<10240xf32, #tpu.memory_space<vmem>>[vector<16xi32>], vector<16xf32>,
    %scan3A_19 = arith.constant 625 : i32
    "tpu.region"() ({
      %run_scoped3A = tpu.sem_alloc : memref<!tpu.dma_semaphore, #tpu.memory_space<semaphore_mem>>
      %dma_start3A = arith.constant 0 : i32
      %dma_start3A_20 = tpu.memref_slice %arg3[%add3A, %dma_start3A] : memref<32x10240xf32, #tpu.memory_space<hbm>> -> memref<1x10240xf32, #tpu.memory_space<hbm>>
      %dma_start3A_21 = tpu.memref_squeeze %dma_start3A_20 : memref<1x10240xf32, #tpu.memory_space<hbm>> -> memref<10240xf32, #tpu.memory_space<hbm>>
      %dma_start3A_22 = arith.constant 0 : i32
      %dma_start3A_23 = tpu.memref_slice %arg3[%add3A, %dma_start3A_22] : memref<32x10240xf32, #tpu.memory_space<hbm>> -> memref<1x10240xf32, #tpu.memory_space<hbm>>
      %dma_start3A_24 = tpu.memref_squeeze %dma_start3A_23 : memref<1x10240xf32, #tpu.memory_space<hbm>> -> memref<10240xf32, #tpu.memory_space<hbm>>
      tpu.enqueue_dma source(%arg5 : memref<10240xf32, #tpu.memory_space<vmem>>) target(%dma_start3A_24 : memref<10240xf32, #tpu.memory_space<hbm>>) target_semaphore(%run_scoped3A : memref<!tpu.dma_semaphore, #tpu.memory_space<semaphore_mem>>)
      %dma_wait3A = arith.constant 0 : i32
      %dma_wait3A_25 = tpu.memref_slice %arg3[%add3A, %dma_wait3A] : memref<32x10240xf32, #tpu.memory_space<hbm>> -> memref<1x10240xf32, #tpu.memory_space<hbm>>
      %dma_wait3A_26 = tpu.memref_squeeze %dma_wait3A_25 : memref<1x10240xf32, #tpu.memory_space<hbm>> -> memref<10240xf32, #tpu.memory_space<hbm>>
      %dma_wait3A_27 = arith.constant 0 : i32
      %dma_wait3A_28 = tpu.memref_slice %arg3[%add3A, %dma_wait3A_27] : memref<32x10240xf32, #tpu.memory_space<hbm>> -> memref<1x10240xf32, #tpu.memory_space<hbm>>
      %dma_wait3A_29 = tpu.memref_squeeze %dma_wait3A_28 : memref<1x10240xf32, #tpu.memory_space<hbm>> -> memref<10240xf32, #tpu.memory_space<hbm>>
      tpu.wait_dma2 semaphore(%run_scoped3A : memref<!tpu.dma_semaphore, #tpu.memory_space<semaphore_mem>>) src(%arg5 : memref<10240xf32, #tpu.memory_space<vmem>>) dst(%dma_wait3A_29 : memref<10240xf32, #tpu.memory_space<hbm>>)
      tpu.yield
    }) : () -> ()
    return
  }
}

#map = affine_map<(d0, d1) -> (0, 0)>
#map1 = affine_map<(d0, d1) -> (0)>
module attributes {stable_mosaic.version = 14 : i64} {
  func.func @_agg1_body(%arg0: i32, %arg1: i32, %arg2: memref<32x40960xf32, #tpu.memory_space<hbm>>, %arg3: memref<320000xi32, #tpu.memory_space<hbm>>, %arg4: memref<320000xi32, #tpu.memory_space<hbm>>, %arg5: memref<32x40960xf32, #tpu.memory_space<hbm>>, %arg6: memref<40960xf32, #tpu.memory_space<vmem>>, %arg7: memref<40960xf32, #tpu.memory_space<vmem>>, %arg8: memref<8000xi32, #tpu.memory_space<vmem>>, %arg9: memref<8000xi32, #tpu.memory_space<vmem>>) attributes {dimension_semantics = [#tpu.dimension_semantics<core_parallel>, #tpu.dimension_semantics<subcore_parallel>], iteration_bounds = array<i64: 2, 16>, scalar_prefetch = 0 : i64, scratch_operands = 4 : i64, tpu.core_type = #tpu.core_type<sc_vector_subcore>, window_params = [{transform_indices = #map}, {transform_indices = #map1}, {transform_indices = #map1}, {transform_indices = #map}]} {
    %mul3A = arith.constant 16 : i32
    %mul3A_0 = arith.muli %arg0, %mul3A : i32
    %add3A = arith.addi %mul3A_0, %arg1 : i32
    "tpu.region"() ({
      %run_scoped3A = tpu.sem_alloc : memref<!tpu.dma_semaphore, #tpu.memory_space<semaphore_mem>>
      %dma_start3A = arith.constant 0 : i32
      %dma_start3A_12 = tpu.memref_slice %arg2[%add3A, %dma_start3A] : memref<32x40960xf32, #tpu.memory_space<hbm>> -> memref<1x40960xf32, #tpu.memory_space<hbm>>
      %dma_start3A_13 = tpu.memref_squeeze %dma_start3A_12 : memref<1x40960xf32, #tpu.memory_space<hbm>> -> memref<40960xf32, #tpu.memory_space<hbm>>
      %dma_start3A_14 = arith.constant 0 : i32
      %dma_start3A_15 = tpu.memref_slice %arg2[%add3A, %dma_start3A_14] : memref<32x40960xf32, #tpu.memory_space<hbm>> -> memref<1x40960xf32, #tpu.memory_space<hbm>>
      %dma_start3A_16 = tpu.memref_squeeze %dma_start3A_15 : memref<1x40960xf32, #tpu.memory_space<hbm>> -> memref<40960xf32, #tpu.memory_space<hbm>>
      tpu.enqueue_dma source(%dma_start3A_16 : memref<40960xf32, #tpu.memory_space<hbm>>) target(%arg6 : memref<40960xf32, #tpu.memory_space<vmem>>) target_semaphore(%run_scoped3A : memref<!tpu.dma_semaphore, #tpu.memory_space<semaphore_mem>>)
      %dma_wait3A = arith.constant 0 : i32
      %dma_wait3A_17 = tpu.memref_slice %arg2[%add3A, %dma_wait3A] : memref<32x40960xf32, #tpu.memory_space<hbm>> -> memref<1x40960xf32, #tpu.memory_space<hbm>>
      %dma_wait3A_18 = tpu.memref_squeeze %dma_wait3A_17 : memref<1x40960xf32, #tpu.memory_space<hbm>> -> memref<40960xf32, #tpu.memory_space<hbm>>
      %dma_wait3A_19 = arith.constant 0 : i32
      %dma_wait3A_20 = tpu.memref_slice %arg2[%add3A, %dma_wait3A_19] : memref<32x40960xf32, #tpu.memory_space<hbm>> -> memref<1x40960xf32, #tpu.memory_space<hbm>>
      %dma_wait3A_21 = tpu.memref_squeeze %dma_wait3A_20 : memref<1x40960xf32, #tpu.memory_space<hbm>> -> memref<40960xf32, #tpu.memory_space<hbm>>
      tpu.wait_dma2 semaphore(%run_scoped3A : memref<!tpu.dma_semaphore, #tpu.memory_space<semaphore_mem>>) src(%dma_wait3A_21 : memref<40960xf32, #tpu.memory_space<hbm>>) dst(%arg6 : memref<40960xf32, #tpu.memory_space<vmem>>)
      tpu.yield
    }) : () -> ()
    %scan3A = arith.constant 0 : i32
    %scan3A_1 = arith.constant 0 : i32
    %scan3A_2 = arith.constant 2560 : i32
    %scan3A_3 = arith.addi %scan3A_1, %scan3A_2 : i32
    %scan3A_4 = arith.constant 1 : i32
    scf.for %scan3A_12 = %scan3A_1 to %scan3A_3 step %scan3A_4  : i32 {
      %broadcast_in_dim3A = arith.constant 0.000000e+00 : f32
      %broadcast_in_dim3A_13 = vector.broadcast %broadcast_in_dim3A : f32 to vector<16xf32>
      %mul3A_14 = arith.constant 16 : i32
      %mul3A_15 = arith.muli %scan3A_12, %mul3A_14 : i32
      %swap3A = arith.index_cast %mul3A_15 : i32 to index
      %swap3A_16 = tpu.vector_load %arg7[%swap3A] {strides = array<i32>} : memref<40960xf32, #tpu.memory_space<vmem>>, vector<16xf32>,
      tpu.vector_store %arg7[%swap3A], %broadcast_in_dim3A_13 {strides = array<i32>} : memref<40960xf32, #tpu.memory_space<vmem>>, vector<16xf32>,
    }
    %scan3A_5 = arith.constant 2560 : i32
    %scan3A_6 = arith.constant 0 : i32
    %scan3A_7 = arith.constant 0 : i32
    %scan3A_8 = arith.constant 40 : i32
    %scan3A_9 = arith.addi %scan3A_7, %scan3A_8 : i32
    %scan3A_10 = arith.constant 1 : i32
    scf.for %scan3A_12 = %scan3A_7 to %scan3A_9 step %scan3A_10  : i32 {
      %mul3A_13 = arith.constant 8000 : i32
      %mul3A_14 = arith.muli %scan3A_12, %mul3A_13 : i32
      "tpu.region"() ({
        %run_scoped3A = tpu.sem_alloc : memref<!tpu.dma_semaphore, #tpu.memory_space<semaphore_mem>>
        %dma_start3A = tpu.memref_slice %arg3[%mul3A_14] : memref<320000xi32, #tpu.memory_space<hbm>> -> memref<8000xi32, #tpu.memory_space<hbm>>
        %dma_start3A_22 = tpu.memref_slice %arg3[%mul3A_14] : memref<320000xi32, #tpu.memory_space<hbm>> -> memref<8000xi32, #tpu.memory_space<hbm>>
        tpu.enqueue_dma source(%dma_start3A_22 : memref<8000xi32, #tpu.memory_space<hbm>>) target(%arg8 : memref<8000xi32, #tpu.memory_space<vmem>>) target_semaphore(%run_scoped3A : memref<!tpu.dma_semaphore, #tpu.memory_space<semaphore_mem>>)
        %dma_wait3A = tpu.memref_slice %arg3[%mul3A_14] : memref<320000xi32, #tpu.memory_space<hbm>> -> memref<8000xi32, #tpu.memory_space<hbm>>
        %dma_wait3A_23 = tpu.memref_slice %arg3[%mul3A_14] : memref<320000xi32, #tpu.memory_space<hbm>> -> memref<8000xi32, #tpu.memory_space<hbm>>
        tpu.wait_dma2 semaphore(%run_scoped3A : memref<!tpu.dma_semaphore, #tpu.memory_space<semaphore_mem>>) src(%dma_wait3A_23 : memref<8000xi32, #tpu.memory_space<hbm>>) dst(%arg8 : memref<8000xi32, #tpu.memory_space<vmem>>)
        tpu.yield
      }) : () -> ()
      %mul3A_15 = arith.constant 8000 : i32
      %mul3A_16 = arith.muli %scan3A_12, %mul3A_15 : i32
      "tpu.region"() ({
        %run_scoped3A = tpu.sem_alloc : memref<!tpu.dma_semaphore, #tpu.memory_space<semaphore_mem>>
        %dma_start3A = tpu.memref_slice %arg4[%mul3A_16] : memref<320000xi32, #tpu.memory_space<hbm>> -> memref<8000xi32, #tpu.memory_space<hbm>>
        %dma_start3A_22 = tpu.memref_slice %arg4[%mul3A_16] : memref<320000xi32, #tpu.memory_space<hbm>> -> memref<8000xi32, #tpu.memory_space<hbm>>
        tpu.enqueue_dma source(%dma_start3A_22 : memref<8000xi32, #tpu.memory_space<hbm>>) target(%arg9 : memref<8000xi32, #tpu.memory_space<vmem>>) target_semaphore(%run_scoped3A : memref<!tpu.dma_semaphore, #tpu.memory_space<semaphore_mem>>)
        %dma_wait3A = tpu.memref_slice %arg4[%mul3A_16] : memref<320000xi32, #tpu.memory_space<hbm>> -> memref<8000xi32, #tpu.memory_space<hbm>>
        %dma_wait3A_23 = tpu.memref_slice %arg4[%mul3A_16] : memref<320000xi32, #tpu.memory_space<hbm>> -> memref<8000xi32, #tpu.memory_space<hbm>>
        tpu.wait_dma2 semaphore(%run_scoped3A : memref<!tpu.dma_semaphore, #tpu.memory_space<semaphore_mem>>) src(%dma_wait3A_23 : memref<8000xi32, #tpu.memory_space<hbm>>) dst(%arg9 : memref<8000xi32, #tpu.memory_space<vmem>>)
        tpu.yield
      }) : () -> ()
      %scan3A_17 = arith.constant 0 : i32
      %scan3A_18 = arith.constant 500 : i32
      %scan3A_19 = arith.addi %scan3A_17, %scan3A_18 : i32
      %scan3A_20 = arith.constant 4 : i32
      scf.for %scan3A_22 = %scan3A_17 to %scan3A_19 step %scan3A_20  : i32 {
        %mul3A_23 = arith.constant 16 : i32
        %mul3A_24 = arith.muli %scan3A_22, %mul3A_23 : i32
        %get3A = arith.index_cast %mul3A_24 : i32 to index
        %get3A_25 = tpu.vector_load %arg8[%get3A] {strides = array<i32>} : memref<8000xi32, #tpu.memory_space<vmem>>, vector<16xi32>,
        %mul3A_26 = arith.constant 4 : i32
        %mul3A_27 = vector.broadcast %mul3A_26 : i32 to vector<16xi32>
        %mul3A_28 = arith.muli %get3A_25, %mul3A_27 : vector<16xi32>
        %mul3A_29 = arith.constant 16 : i32
        %mul3A_30 = arith.muli %scan3A_22, %mul3A_29 : i32
        %get3A_31 = arith.index_cast %mul3A_30 : i32 to index
        %get3A_32 = tpu.vector_load %arg9[%get3A_31] {strides = array<i32>} : memref<8000xi32, #tpu.memory_space<vmem>>, vector<16xi32>,
        %mul3A_33 = arith.constant 4 : i32
        %mul3A_34 = vector.broadcast %mul3A_33 : i32 to vector<16xi32>
        %mul3A_35 = arith.muli %get3A_32, %mul3A_34 : vector<16xi32>
        %add3A_36 = arith.constant 0 : i32
        %add3A_37 = vector.broadcast %add3A_36 : i32 to vector<16xi32>
        %add3A_38 = arith.addi %mul3A_28, %add3A_37 : vector<16xi32>
        %gather3A = tpu.vector_load_idx %arg6[%add3A_38] : memref<40960xf32, #tpu.memory_space<vmem>>[vector<16xi32>], vector<16xf32>,
        %add3A_39 = arith.constant 0 : i32
        %add3A_40 = vector.broadcast %add3A_39 : i32 to vector<16xi32>
        %add3A_41 = arith.addi %mul3A_35, %add3A_40 : vector<16xi32>
        tpu.vector_store_idx %arg7[%add3A_41], %gather3A {add = true} : memref<40960xf32, #tpu.memory_space<vmem>>[vector<16xi32>], vector<16xf32>,
        %add3A_42 = arith.constant 1 : i32
        %add3A_43 = vector.broadcast %add3A_42 : i32 to vector<16xi32>
        %add3A_44 = arith.addi %mul3A_28, %add3A_43 : vector<16xi32>
        %gather3A_45 = tpu.vector_load_idx %arg6[%add3A_44] : memref<40960xf32, #tpu.memory_space<vmem>>[vector<16xi32>], vector<16xf32>,
        %add3A_46 = arith.constant 1 : i32
        %add3A_47 = vector.broadcast %add3A_46 : i32 to vector<16xi32>
        %add3A_48 = arith.addi %mul3A_35, %add3A_47 : vector<16xi32>
        tpu.vector_store_idx %arg7[%add3A_48], %gather3A_45 {add = true} : memref<40960xf32, #tpu.memory_space<vmem>>[vector<16xi32>], vector<16xf32>,
        %add3A_49 = arith.constant 2 : i32
        %add3A_50 = vector.broadcast %add3A_49 : i32 to vector<16xi32>
        %add3A_51 = arith.addi %mul3A_28, %add3A_50 : vector<16xi32>
        %gather3A_52 = tpu.vector_load_idx %arg6[%add3A_51] : memref<40960xf32, #tpu.memory_space<vmem>>[vector<16xi32>], vector<16xf32>,
        %add3A_53 = arith.constant 2 : i32
        %add3A_54 = vector.broadcast %add3A_53 : i32 to vector<16xi32>
        %add3A_55 = arith.addi %mul3A_35, %add3A_54 : vector<16xi32>
        tpu.vector_store_idx %arg7[%add3A_55], %gather3A_52 {add = true} : memref<40960xf32, #tpu.memory_space<vmem>>[vector<16xi32>], vector<16xf32>,
        %add3A_56 = arith.constant 3 : i32
        %add3A_57 = vector.broadcast %add3A_56 : i32 to vector<16xi32>
        %add3A_58 = arith.addi %mul3A_28, %add3A_57 : vector<16xi32>
        %gather3A_59 = tpu.vector_load_idx %arg6[%add3A_58] : memref<40960xf32, #tpu.memory_space<vmem>>[vector<16xi32>], vector<16xf32>,
        %add3A_60 = arith.constant 3 : i32
        %add3A_61 = vector.broadcast %add3A_60 : i32 to vector<16xi32>
        %add3A_62 = arith.addi %mul3A_35, %add3A_61 : vector<16xi32>
        tpu.vector_store_idx %arg7[%add3A_62], %gather3A_59 {add = true} : memref<40960xf32, #tpu.memory_space<vmem>>[vector<16xi32>], vector<16xf32>,
        %scan3A_63 = arith.constant 1 : i32
        %scan3A_64 = arith.addi %scan3A_22, %scan3A_63 : i32
        %mul3A_65 = arith.constant 16 : i32
        %mul3A_66 = arith.muli %scan3A_64, %mul3A_65 : i32
        %get3A_67 = arith.index_cast %mul3A_66 : i32 to index
        %get3A_68 = tpu.vector_load %arg8[%get3A_67] {strides = array<i32>} : memref<8000xi32, #tpu.memory_space<vmem>>, vector<16xi32>,
        %mul3A_69 = arith.constant 4 : i32
        %mul3A_70 = vector.broadcast %mul3A_69 : i32 to vector<16xi32>
        %mul3A_71 = arith.muli %get3A_68, %mul3A_70 : vector<16xi32>
        %mul3A_72 = arith.constant 16 : i32
        %mul3A_73 = arith.muli %scan3A_64, %mul3A_72 : i32
        %get3A_74 = arith.index_cast %mul3A_73 : i32 to index
        %get3A_75 = tpu.vector_load %arg9[%get3A_74] {strides = array<i32>} : memref<8000xi32, #tpu.memory_space<vmem>>, vector<16xi32>,
        %mul3A_76 = arith.constant 4 : i32
        %mul3A_77 = vector.broadcast %mul3A_76 : i32 to vector<16xi32>
        %mul3A_78 = arith.muli %get3A_75, %mul3A_77 : vector<16xi32>
        %add3A_79 = arith.constant 0 : i32
        %add3A_80 = vector.broadcast %add3A_79 : i32 to vector<16xi32>
        %add3A_81 = arith.addi %mul3A_71, %add3A_80 : vector<16xi32>
        %gather3A_82 = tpu.vector_load_idx %arg6[%add3A_81] : memref<40960xf32, #tpu.memory_space<vmem>>[vector<16xi32>], vector<16xf32>,
        %add3A_83 = arith.constant 0 : i32
        %add3A_84 = vector.broadcast %add3A_83 : i32 to vector<16xi32>
        %add3A_85 = arith.addi %mul3A_78, %add3A_84 : vector<16xi32>
        tpu.vector_store_idx %arg7[%add3A_85], %gather3A_82 {add = true} : memref<40960xf32, #tpu.memory_space<vmem>>[vector<16xi32>], vector<16xf32>,
        %add3A_86 = arith.constant 1 : i32
        %add3A_87 = vector.broadcast %add3A_86 : i32 to vector<16xi32>
        %add3A_88 = arith.addi %mul3A_71, %add3A_87 : vector<16xi32>
        %gather3A_89 = tpu.vector_load_idx %arg6[%add3A_88] : memref<40960xf32, #tpu.memory_space<vmem>>[vector<16xi32>], vector<16xf32>,
        %add3A_90 = arith.constant 1 : i32
        %add3A_91 = vector.broadcast %add3A_90 : i32 to vector<16xi32>
        %add3A_92 = arith.addi %mul3A_78, %add3A_91 : vector<16xi32>
        tpu.vector_store_idx %arg7[%add3A_92], %gather3A_89 {add = true} : memref<40960xf32, #tpu.memory_space<vmem>>[vector<16xi32>], vector<16xf32>,
        %add3A_93 = arith.constant 2 : i32
        %add3A_94 = vector.broadcast %add3A_93 : i32 to vector<16xi32>
        %add3A_95 = arith.addi %mul3A_71, %add3A_94 : vector<16xi32>
        %gather3A_96 = tpu.vector_load_idx %arg6[%add3A_95] : memref<40960xf32, #tpu.memory_space<vmem>>[vector<16xi32>], vector<16xf32>,
        %add3A_97 = arith.constant 2 : i32
        %add3A_98 = vector.broadcast %add3A_97 : i32 to vector<16xi32>
        %add3A_99 = arith.addi %mul3A_78, %add3A_98 : vector<16xi32>
        tpu.vector_store_idx %arg7[%add3A_99], %gather3A_96 {add = true} : memref<40960xf32, #tpu.memory_space<vmem>>[vector<16xi32>], vector<16xf32>,
        %add3A_100 = arith.constant 3 : i32
        %add3A_101 = vector.broadcast %add3A_100 : i32 to vector<16xi32>
        %add3A_102 = arith.addi %mul3A_71, %add3A_101 : vector<16xi32>
        %gather3A_103 = tpu.vector_load_idx %arg6[%add3A_102] : memref<40960xf32, #tpu.memory_space<vmem>>[vector<16xi32>], vector<16xf32>,
        %add3A_104 = arith.constant 3 : i32
        %add3A_105 = vector.broadcast %add3A_104 : i32 to vector<16xi32>
        %add3A_106 = arith.addi %mul3A_78, %add3A_105 : vector<16xi32>
        tpu.vector_store_idx %arg7[%add3A_106], %gather3A_103 {add = true} : memref<40960xf32, #tpu.memory_space<vmem>>[vector<16xi32>], vector<16xf32>,
        %scan3A_107 = arith.constant 2 : i32
        %scan3A_108 = arith.addi %scan3A_22, %scan3A_107 : i32
        %mul3A_109 = arith.constant 16 : i32
        %mul3A_110 = arith.muli %scan3A_108, %mul3A_109 : i32
        %get3A_111 = arith.index_cast %mul3A_110 : i32 to index
        %get3A_112 = tpu.vector_load %arg8[%get3A_111] {strides = array<i32>} : memref<8000xi32, #tpu.memory_space<vmem>>, vector<16xi32>,
        %mul3A_113 = arith.constant 4 : i32
        %mul3A_114 = vector.broadcast %mul3A_113 : i32 to vector<16xi32>
        %mul3A_115 = arith.muli %get3A_112, %mul3A_114 : vector<16xi32>
        %mul3A_116 = arith.constant 16 : i32
        %mul3A_117 = arith.muli %scan3A_108, %mul3A_116 : i32
        %get3A_118 = arith.index_cast %mul3A_117 : i32 to index
        %get3A_119 = tpu.vector_load %arg9[%get3A_118] {strides = array<i32>} : memref<8000xi32, #tpu.memory_space<vmem>>, vector<16xi32>,
        %mul3A_120 = arith.constant 4 : i32
        %mul3A_121 = vector.broadcast %mul3A_120 : i32 to vector<16xi32>
        %mul3A_122 = arith.muli %get3A_119, %mul3A_121 : vector<16xi32>
        %add3A_123 = arith.constant 0 : i32
        %add3A_124 = vector.broadcast %add3A_123 : i32 to vector<16xi32>
        %add3A_125 = arith.addi %mul3A_115, %add3A_124 : vector<16xi32>
        %gather3A_126 = tpu.vector_load_idx %arg6[%add3A_125] : memref<40960xf32, #tpu.memory_space<vmem>>[vector<16xi32>], vector<16xf32>,
        %add3A_127 = arith.constant 0 : i32
        %add3A_128 = vector.broadcast %add3A_127 : i32 to vector<16xi32>
        %add3A_129 = arith.addi %mul3A_122, %add3A_128 : vector<16xi32>
        tpu.vector_store_idx %arg7[%add3A_129], %gather3A_126 {add = true} : memref<40960xf32, #tpu.memory_space<vmem>>[vector<16xi32>], vector<16xf32>,
        %add3A_130 = arith.constant 1 : i32
        %add3A_131 = vector.broadcast %add3A_130 : i32 to vector<16xi32>
        %add3A_132 = arith.addi %mul3A_115, %add3A_131 : vector<16xi32>
        %gather3A_133 = tpu.vector_load_idx %arg6[%add3A_132] : memref<40960xf32, #tpu.memory_space<vmem>>[vector<16xi32>], vector<16xf32>,
        %add3A_134 = arith.constant 1 : i32
        %add3A_135 = vector.broadcast %add3A_134 : i32 to vector<16xi32>
        %add3A_136 = arith.addi %mul3A_122, %add3A_135 : vector<16xi32>
        tpu.vector_store_idx %arg7[%add3A_136], %gather3A_133 {add = true} : memref<40960xf32, #tpu.memory_space<vmem>>[vector<16xi32>], vector<16xf32>,
        %add3A_137 = arith.constant 2 : i32
        %add3A_138 = vector.broadcast %add3A_137 : i32 to vector<16xi32>
        %add3A_139 = arith.addi %mul3A_115, %add3A_138 : vector<16xi32>
        %gather3A_140 = tpu.vector_load_idx %arg6[%add3A_139] : memref<40960xf32, #tpu.memory_space<vmem>>[vector<16xi32>], vector<16xf32>,
        %add3A_141 = arith.constant 2 : i32
        %add3A_142 = vector.broadcast %add3A_141 : i32 to vector<16xi32>
        %add3A_143 = arith.addi %mul3A_122, %add3A_142 : vector<16xi32>
        tpu.vector_store_idx %arg7[%add3A_143], %gather3A_140 {add = true} : memref<40960xf32, #tpu.memory_space<vmem>>[vector<16xi32>], vector<16xf32>,
        %add3A_144 = arith.constant 3 : i32
        %add3A_145 = vector.broadcast %add3A_144 : i32 to vector<16xi32>
        %add3A_146 = arith.addi %mul3A_115, %add3A_145 : vector<16xi32>
        %gather3A_147 = tpu.vector_load_idx %arg6[%add3A_146] : memref<40960xf32, #tpu.memory_space<vmem>>[vector<16xi32>], vector<16xf32>,
        %add3A_148 = arith.constant 3 : i32
        %add3A_149 = vector.broadcast %add3A_148 : i32 to vector<16xi32>
        %add3A_150 = arith.addi %mul3A_122, %add3A_149 : vector<16xi32>
        tpu.vector_store_idx %arg7[%add3A_150], %gather3A_147 {add = true} : memref<40960xf32, #tpu.memory_space<vmem>>[vector<16xi32>], vector<16xf32>,
        %scan3A_151 = arith.constant 3 : i32
        %scan3A_152 = arith.addi %scan3A_22, %scan3A_151 : i32
        %mul3A_153 = arith.constant 16 : i32
        %mul3A_154 = arith.muli %scan3A_152, %mul3A_153 : i32
        %get3A_155 = arith.index_cast %mul3A_154 : i32 to index
        %get3A_156 = tpu.vector_load %arg8[%get3A_155] {strides = array<i32>} : memref<8000xi32, #tpu.memory_space<vmem>>, vector<16xi32>,
        %mul3A_157 = arith.constant 4 : i32
        %mul3A_158 = vector.broadcast %mul3A_157 : i32 to vector<16xi32>
        %mul3A_159 = arith.muli %get3A_156, %mul3A_158 : vector<16xi32>
        %mul3A_160 = arith.constant 16 : i32
        %mul3A_161 = arith.muli %scan3A_152, %mul3A_160 : i32
        %get3A_162 = arith.index_cast %mul3A_161 : i32 to index
        %get3A_163 = tpu.vector_load %arg9[%get3A_162] {strides = array<i32>} : memref<8000xi32, #tpu.memory_space<vmem>>, vector<16xi32>,
        %mul3A_164 = arith.constant 4 : i32
        %mul3A_165 = vector.broadcast %mul3A_164 : i32 to vector<16xi32>
        %mul3A_166 = arith.muli %get3A_163, %mul3A_165 : vector<16xi32>
        %add3A_167 = arith.constant 0 : i32
        %add3A_168 = vector.broadcast %add3A_167 : i32 to vector<16xi32>
        %add3A_169 = arith.addi %mul3A_159, %add3A_168 : vector<16xi32>
        %gather3A_170 = tpu.vector_load_idx %arg6[%add3A_169] : memref<40960xf32, #tpu.memory_space<vmem>>[vector<16xi32>], vector<16xf32>,
        %add3A_171 = arith.constant 0 : i32
        %add3A_172 = vector.broadcast %add3A_171 : i32 to vector<16xi32>
        %add3A_173 = arith.addi %mul3A_166, %add3A_172 : vector<16xi32>
        tpu.vector_store_idx %arg7[%add3A_173], %gather3A_170 {add = true} : memref<40960xf32, #tpu.memory_space<vmem>>[vector<16xi32>], vector<16xf32>,
        %add3A_174 = arith.constant 1 : i32
        %add3A_175 = vector.broadcast %add3A_174 : i32 to vector<16xi32>
        %add3A_176 = arith.addi %mul3A_159, %add3A_175 : vector<16xi32>
        %gather3A_177 = tpu.vector_load_idx %arg6[%add3A_176] : memref<40960xf32, #tpu.memory_space<vmem>>[vector<16xi32>], vector<16xf32>,
        %add3A_178 = arith.constant 1 : i32
        %add3A_179 = vector.broadcast %add3A_178 : i32 to vector<16xi32>
        %add3A_180 = arith.addi %mul3A_166, %add3A_179 : vector<16xi32>
        tpu.vector_store_idx %arg7[%add3A_180], %gather3A_177 {add = true} : memref<40960xf32, #tpu.memory_space<vmem>>[vector<16xi32>], vector<16xf32>,
        %add3A_181 = arith.constant 2 : i32
        %add3A_182 = vector.broadcast %add3A_181 : i32 to vector<16xi32>
        %add3A_183 = arith.addi %mul3A_159, %add3A_182 : vector<16xi32>
        %gather3A_184 = tpu.vector_load_idx %arg6[%add3A_183] : memref<40960xf32, #tpu.memory_space<vmem>>[vector<16xi32>], vector<16xf32>,
        %add3A_185 = arith.constant 2 : i32
        %add3A_186 = vector.broadcast %add3A_185 : i32 to vector<16xi32>
        %add3A_187 = arith.addi %mul3A_166, %add3A_186 : vector<16xi32>
        tpu.vector_store_idx %arg7[%add3A_187], %gather3A_184 {add = true} : memref<40960xf32, #tpu.memory_space<vmem>>[vector<16xi32>], vector<16xf32>,
        %add3A_188 = arith.constant 3 : i32
        %add3A_189 = vector.broadcast %add3A_188 : i32 to vector<16xi32>
        %add3A_190 = arith.addi %mul3A_159, %add3A_189 : vector<16xi32>
        %gather3A_191 = tpu.vector_load_idx %arg6[%add3A_190] : memref<40960xf32, #tpu.memory_space<vmem>>[vector<16xi32>], vector<16xf32>,
        %add3A_192 = arith.constant 3 : i32
        %add3A_193 = vector.broadcast %add3A_192 : i32 to vector<16xi32>
        %add3A_194 = arith.addi %mul3A_166, %add3A_193 : vector<16xi32>
        tpu.vector_store_idx %arg7[%add3A_194], %gather3A_191 {add = true} : memref<40960xf32, #tpu.memory_space<vmem>>[vector<16xi32>], vector<16xf32>,
      }
      %scan3A_21 = arith.constant 500 : i32
    }
    %scan3A_11 = arith.constant 40 : i32
    "tpu.region"() ({
      %run_scoped3A = tpu.sem_alloc : memref<!tpu.dma_semaphore, #tpu.memory_space<semaphore_mem>>
      %dma_start3A = arith.constant 0 : i32
      %dma_start3A_12 = tpu.memref_slice %arg5[%add3A, %dma_start3A] : memref<32x40960xf32, #tpu.memory_space<hbm>> -> memref<1x40960xf32, #tpu.memory_space<hbm>>
      %dma_start3A_13 = tpu.memref_squeeze %dma_start3A_12 : memref<1x40960xf32, #tpu.memory_space<hbm>> -> memref<40960xf32, #tpu.memory_space<hbm>>
      %dma_start3A_14 = arith.constant 0 : i32
      %dma_start3A_15 = tpu.memref_slice %arg5[%add3A, %dma_start3A_14] : memref<32x40960xf32, #tpu.memory_space<hbm>> -> memref<1x40960xf32, #tpu.memory_space<hbm>>
      %dma_start3A_16 = tpu.memref_squeeze %dma_start3A_15 : memref<1x40960xf32, #tpu.memory_space<hbm>> -> memref<40960xf32, #tpu.memory_space<hbm>>
      tpu.enqueue_dma source(%arg7 : memref<40960xf32, #tpu.memory_space<vmem>>) target(%dma_start3A_16 : memref<40960xf32, #tpu.memory_space<hbm>>) target_semaphore(%run_scoped3A : memref<!tpu.dma_semaphore, #tpu.memory_space<semaphore_mem>>)
      %dma_wait3A = arith.constant 0 : i32
      %dma_wait3A_17 = tpu.memref_slice %arg5[%add3A, %dma_wait3A] : memref<32x40960xf32, #tpu.memory_space<hbm>> -> memref<1x40960xf32, #tpu.memory_space<hbm>>
      %dma_wait3A_18 = tpu.memref_squeeze %dma_wait3A_17 : memref<1x40960xf32, #tpu.memory_space<hbm>> -> memref<40960xf32, #tpu.memory_space<hbm>>
      %dma_wait3A_19 = arith.constant 0 : i32
      %dma_wait3A_20 = tpu.memref_slice %arg5[%add3A, %dma_wait3A_19] : memref<32x40960xf32, #tpu.memory_space<hbm>> -> memref<1x40960xf32, #tpu.memory_space<hbm>>
      %dma_wait3A_21 = tpu.memref_squeeze %dma_wait3A_20 : memref<1x40960xf32, #tpu.memory_space<hbm>> -> memref<40960xf32, #tpu.memory_space<hbm>>
      tpu.wait_dma2 semaphore(%run_scoped3A : memref<!tpu.dma_semaphore, #tpu.memory_space<semaphore_mem>>) src(%arg7 : memref<40960xf32, #tpu.memory_space<vmem>>) dst(%dma_wait3A_21 : memref<40960xf32, #tpu.memory_space<hbm>>)
      tpu.yield
    }) : () -> ()
    return
  }
}

module attributes {stable_mosaic.version = 14 : i64} {
  func.func @_prep_body(%arg0: i32, %arg1: memref<128x128xf32, #tpu.memory_space<vmem>>, %arg2: memref<32x128xf32, #tpu.memory_space<vmem>>, %arg3: memref<128x128xf32, #tpu.memory_space<vmem>>, %arg4: memref<128x16xf32, #tpu.memory_space<vmem>>) attributes {dimension_semantics = [#tpu.dimension_semantics<arbitrary>], iteration_bounds = array<i64: 80>, scalar_prefetch = 0 : i64, scratch_operands = 0 : i64, tpu.core_type = #tpu.core_type<tc>, window_params = [{transform_indices = @transform_0, window_bounds = array<i64: 128, 128>}, {transform_indices = @transform_1, window_bounds = array<i64: 32, 128>}, {transform_indices = @transform_2, window_bounds = array<i64: 128, 128>}, {transform_indices = @transform_3, window_bounds = array<i64: 128, 16>}]} {
    %get3A = arith.constant 0 : index
    %get3A_0 = arith.constant 0 : index
    %get3A_1 = vector.load %arg2[%get3A, %get3A_0] : memref<32x128xf32, #tpu.memory_space<vmem>>, vector<32x128xf32>
    %reduce_sum3A = arith.constant dense<0.000000e+00> : vector<128xf32>
    %reduce_sum3A_2 = vector.multi_reduction <add>, %get3A_1, %reduce_sum3A [0] : vector<32x128xf32> to vector<128xf32>
    %broadcast_in_dim3A = vector.shape_cast %reduce_sum3A_2 : vector<128xf32> to vector<1x128xf32>
    %transpose3A = tpu.transpose %broadcast_in_dim3A, [1, 0] : vector<1x128xf32> -> vector<128x1xf32>
    %add3A = arith.constant 1.000000e+00 : f32
    %add3A_3 = vector.broadcast %add3A : f32 to vector<128x1xf32>
    %add3A_4 = arith.addf %transpose3A, %add3A_3 : vector<128x1xf32>
    %rsqrt3A = math.rsqrt %add3A_4 : vector<128x1xf32>
    %get3A_5 = arith.constant 0 : index
    %get3A_6 = arith.constant 0 : index
    %get3A_7 = vector.load %arg1[%get3A_5, %get3A_6] : memref<128x128xf32, #tpu.memory_space<vmem>>, vector<128x128xf32>
    %mul3A = vector.broadcast %rsqrt3A : vector<128x1xf32> to vector<128x128xf32>
    %mul3A_8 = arith.mulf %get3A_7, %mul3A : vector<128x128xf32>
    %swap3A = arith.constant 0 : index
    %swap3A_9 = arith.constant 0 : index
    %swap3A_10 = vector.load %arg3[%swap3A, %swap3A_9] : memref<128x128xf32, #tpu.memory_space<vmem>>, vector<128x128xf32>
    tpu.vector_store %arg3[%swap3A, %swap3A_9], %mul3A_8 {strides = array<i32>} : memref<128x128xf32, #tpu.memory_space<vmem>>, vector<128x128xf32>,
    %broadcast_in_dim3A_11 = vector.shape_cast %rsqrt3A : vector<128x1xf32> to vector<128x1xf32>
    %broadcast_in_dim3A_12 = vector.broadcast %broadcast_in_dim3A_11 : vector<128x1xf32> to vector<128x16xf32>
    %swap3A_13 = arith.constant 0 : index
    %swap3A_14 = arith.constant 0 : index
    %swap3A_15 = vector.load %arg4[%swap3A_13, %swap3A_14] : memref<128x16xf32, #tpu.memory_space<vmem>>, vector<128x16xf32>
    tpu.vector_store %arg4[%swap3A_13, %swap3A_14], %broadcast_in_dim3A_12 {strides = array<i32>} : memref<128x16xf32, #tpu.memory_space<vmem>>, vector<128x16xf32>,
    return
  }
  func.func @transform_0(%arg0: i32) -> (i32, i32) {
    %c0_i32 = arith.constant 0 : i32
    %c0_i32_0 = arith.constant 0 : i32
    return %arg0, %c0_i32 : i32, i32
  }
  func.func @transform_1(%arg0: i32) -> (i32, i32) {
    %c0_i32 = arith.constant 0 : i32
    %c0_i32_0 = arith.constant 0 : i32
    return %c0_i32, %arg0 : i32, i32
  }
  func.func @transform_2(%arg0: i32) -> (i32, i32) {
    %c0_i32 = arith.constant 0 : i32
    %c0_i32_0 = arith.constant 0 : i32
    return %arg0, %c0_i32 : i32, i32
  }
  func.func @transform_3(%arg0: i32) -> (i32, i32) {
    %c0_i32 = arith.constant 0 : i32
    %c0_i32_0 = arith.constant 0 : i32
    return %arg0, %c0_i32 : i32, i32
  }
}

module attributes {stable_mosaic.version = 14 : i64} {
  func.func @_mlp_body(%arg0: i32, %arg1: memref<128x128xf32, #tpu.memory_space<vmem>>, %arg2: memref<128x128xf32, #tpu.memory_space<vmem>>, %arg3: memref<128x16xf32, #tpu.memory_space<vmem>>, %arg4: memref<128x256xf32, #tpu.memory_space<vmem>>, %arg5: memref<1x256xf32, #tpu.memory_space<vmem>>, %arg6: memref<256x16xf32, #tpu.memory_space<vmem>>, %arg7: memref<128x16xf32, #tpu.memory_space<vmem>>) attributes {dimension_semantics = [#tpu.dimension_semantics<arbitrary>], iteration_bounds = array<i64: 80>, scalar_prefetch = 0 : i64, scratch_operands = 0 : i64, tpu.core_type = #tpu.core_type<tc>, window_params = [{transform_indices = @transform_0, window_bounds = array<i64: 128, 128>}, {transform_indices = @transform_1, window_bounds = array<i64: 128, 128>}, {transform_indices = @transform_2, window_bounds = array<i64: 128, 16>}, {pipeline_mode = #tpu.pipeline_mode<synchronous>, transform_indices = @transform_3, window_bounds = array<i64: 128, 256>}, {pipeline_mode = #tpu.pipeline_mode<synchronous>, transform_indices = @transform_4, window_bounds = array<i64: 1, 256>}, {pipeline_mode = #tpu.pipeline_mode<synchronous>, transform_indices = @transform_5, window_bounds = array<i64: 256, 16>}, {transform_indices = @transform_6, window_bounds = array<i64: 128, 16>}]} {
    %get3A = arith.constant 0 : index
    %get3A_0 = arith.constant 0 : index
    %get3A_1 = vector.load %arg3[%get3A, %get3A_0] : memref<128x16xf32, #tpu.memory_space<vmem>>, vector<128x1xf32>
    %get3A_2 = arith.constant 0 : index
    %get3A_3 = arith.constant 0 : index
    %get3A_4 = vector.load %arg1[%get3A_2, %get3A_3] : memref<128x128xf32, #tpu.memory_space<vmem>>, vector<128x128xf32>
    %get3A_5 = arith.constant 0 : index
    %get3A_6 = arith.constant 0 : index
    %get3A_7 = vector.load %arg2[%get3A_5, %get3A_6] : memref<128x128xf32, #tpu.memory_space<vmem>>, vector<128x128xf32>
    %add3A = arith.addf %get3A_4, %get3A_7 : vector<128x128xf32>
    %mul3A = vector.broadcast %get3A_1 : vector<128x1xf32> to vector<128x128xf32>
    %mul3A_8 = arith.mulf %add3A, %mul3A : vector<128x128xf32>
    %get3A_9 = arith.constant 0 : index
    %get3A_10 = arith.constant 0 : index
    %get3A_11 = vector.load %arg4[%get3A_9, %get3A_10] : memref<128x256xf32, #tpu.memory_space<vmem>>, vector<128x256xf32>
    %dot_general3A = arith.constant dense<0.000000e+00> : vector<128x256xf32>
    %dot_general3A_12 = tpu.matmul %mul3A_8, %get3A_11, %dot_general3A {dimension_numbers = #tpu.dot_dimension_numbers<[1], [0], [0], [1], [0, 0, 1, 1], [], []>, transpose_lhs_hint = false} : vector<128x128xf32>, vector<128x256xf32>, vector<128x256xf32> -> vector<128x256xf32>
    %get3A_13 = arith.constant 0 : index
    %get3A_14 = arith.constant 0 : index
    %get3A_15 = vector.load %arg5[%get3A_13, %get3A_14] : memref<1x256xf32, #tpu.memory_space<vmem>>, vector<1x256xf32>
    %add3A_16 = vector.broadcast %get3A_15 : vector<1x256xf32> to vector<128x256xf32>
    %add3A_17 = arith.addf %dot_general3A_12, %add3A_16 : vector<128x256xf32>
    %max3A = arith.constant 0.000000e+00 : f32
    %max3A_18 = vector.broadcast %max3A : f32 to vector<128x256xf32>
    %max3A_19 = arith.maximumf %add3A_17, %max3A_18 : vector<128x256xf32>
    %get3A_20 = arith.constant 0 : index
    %get3A_21 = arith.constant 0 : index
    %get3A_22 = vector.load %arg6[%get3A_20, %get3A_21] : memref<256x16xf32, #tpu.memory_space<vmem>>, vector<256x16xf32>
    %dot_general3A_23 = arith.constant dense<0.000000e+00> : vector<128x16xf32>
    %dot_general3A_24 = tpu.matmul %max3A_19, %get3A_22, %dot_general3A_23 {dimension_numbers = #tpu.dot_dimension_numbers<[1], [0], [0], [1], [0, 0, 1, 1], [], []>, transpose_lhs_hint = false} : vector<128x256xf32>, vector<256x16xf32>, vector<128x16xf32> -> vector<128x16xf32>
    %mul3A_25 = vector.broadcast %get3A_1 : vector<128x1xf32> to vector<128x16xf32>
    %mul3A_26 = arith.mulf %dot_general3A_24, %mul3A_25 : vector<128x16xf32>
    %swap3A = arith.constant 0 : index
    %swap3A_27 = arith.constant 0 : index
    %swap3A_28 = vector.load %arg7[%swap3A, %swap3A_27] : memref<128x16xf32, #tpu.memory_space<vmem>>, vector<128x16xf32>
    tpu.vector_store %arg7[%swap3A, %swap3A_27], %mul3A_26 {strides = array<i32>} : memref<128x16xf32, #tpu.memory_space<vmem>>, vector<128x16xf32>,
    return
  }
  func.func @transform_0(%arg0: i32) -> (i32, i32) {
    %c0_i32 = arith.constant 0 : i32
    %c0_i32_0 = arith.constant 0 : i32
    return %arg0, %c0_i32 : i32, i32
  }
  func.func @transform_1(%arg0: i32) -> (i32, i32) {
    %c0_i32 = arith.constant 0 : i32
    %c0_i32_0 = arith.constant 0 : i32
    return %arg0, %c0_i32 : i32, i32
  }
  func.func @transform_2(%arg0: i32) -> (i32, i32) {
    %c0_i32 = arith.constant 0 : i32
    %c0_i32_0 = arith.constant 0 : i32
    return %arg0, %c0_i32 : i32, i32
  }
  func.func @transform_3(%arg0: i32) -> (i32, i32) {
    %c0_i32 = arith.constant 0 : i32
    %c0_i32_0 = arith.constant 0 : i32
    %c0_i32_1 = arith.constant 0 : i32
    return %c0_i32, %c0_i32_0 : i32, i32
  }
  func.func @transform_4(%arg0: i32) -> (i32, i32) {
    %c0_i32 = arith.constant 0 : i32
    %c0_i32_0 = arith.constant 0 : i32
    %c0_i32_1 = arith.constant 0 : i32
    return %c0_i32, %c0_i32_0 : i32, i32
  }
  func.func @transform_5(%arg0: i32) -> (i32, i32) {
    %c0_i32 = arith.constant 0 : i32
    %c0_i32_0 = arith.constant 0 : i32
    %c0_i32_1 = arith.constant 0 : i32
    return %c0_i32, %c0_i32_0 : i32, i32
  }
  func.func @transform_6(%arg0: i32) -> (i32, i32) {
    %c0_i32 = arith.constant 0 : i32
    %c0_i32_0 = arith.constant 0 : i32
    return %arg0, %c0_i32 : i32, i32
  }
}

module attributes {stable_mosaic.version = 14 : i64} {
  func.func @_final_body(%arg0: i32, %arg1: memref<8x128x16xf32, #tpu.memory_space<vmem>>, %arg2: memref<128x16xf32, #tpu.memory_space<vmem>>, %arg3: memref<128x16xf32, #tpu.memory_space<vmem>>, %arg4: memref<1x16xf32, #tpu.memory_space<vmem>>, %arg5: memref<128x16xf32, #tpu.memory_space<vmem>>) attributes {dimension_semantics = [#tpu.dimension_semantics<arbitrary>], iteration_bounds = array<i64: 80>, scalar_prefetch = 0 : i64, scratch_operands = 0 : i64, tpu.core_type = #tpu.core_type<tc>, window_params = [{transform_indices = @transform_0, window_bounds = array<i64: 8, 128, 16>}, {transform_indices = @transform_1, window_bounds = array<i64: 128, 16>}, {transform_indices = @transform_2, window_bounds = array<i64: 128, 16>}, {pipeline_mode = #tpu.pipeline_mode<synchronous>, transform_indices = @transform_3, window_bounds = array<i64: 1, 16>}, {transform_indices = @transform_4, window_bounds = array<i64: 128, 16>}]} {
    %get3A = arith.constant 0 : index
    %get3A_0 = arith.constant 0 : index
    %get3A_1 = vector.load %arg3[%get3A, %get3A_0] : memref<128x16xf32, #tpu.memory_space<vmem>>, vector<128x1xf32>
    %get3A_2 = arith.constant 0 : index
    %get3A_3 = arith.constant 0 : index
    %get3A_4 = arith.constant 0 : index
    %get3A_5 = vector.load %arg1[%get3A_2, %get3A_3, %get3A_4] : memref<8x128x16xf32, #tpu.memory_space<vmem>>, vector<8x128x16xf32>
    %reduce_sum3A = arith.constant dense<0.000000e+00> : vector<128x16xf32>
    %reduce_sum3A_6 = vector.multi_reduction <add>, %get3A_5, %reduce_sum3A [0] : vector<8x128x16xf32> to vector<128x16xf32>
    %get3A_7 = arith.constant 0 : index
    %get3A_8 = arith.constant 0 : index
    %get3A_9 = vector.load %arg2[%get3A_7, %get3A_8] : memref<128x16xf32, #tpu.memory_space<vmem>>, vector<128x16xf32>
    %add3A = arith.addf %reduce_sum3A_6, %get3A_9 : vector<128x16xf32>
    %mul3A = vector.broadcast %get3A_1 : vector<128x1xf32> to vector<128x16xf32>
    %mul3A_10 = arith.mulf %add3A, %mul3A : vector<128x16xf32>
    %get3A_11 = arith.constant 0 : index
    %get3A_12 = arith.constant 0 : index
    %get3A_13 = vector.load %arg4[%get3A_11, %get3A_12] : memref<1x16xf32, #tpu.memory_space<vmem>>, vector<1x16xf32>
    %add3A_14 = vector.broadcast %get3A_13 : vector<1x16xf32> to vector<128x16xf32>
    %add3A_15 = arith.addf %mul3A_10, %add3A_14 : vector<128x16xf32>
    %reduce_max3A = arith.constant dense<0xFF800000> : vector<128xf32>
    %reduce_max3A_16 = vector.multi_reduction <maximumf>, %add3A_15, %reduce_max3A [1] : vector<128x16xf32> to vector<128xf32>
    %broadcast_in_dim3A = vector.shape_cast %reduce_max3A_16 : vector<128xf32> to vector<128x1xf32>
    %sub3A = vector.broadcast %broadcast_in_dim3A : vector<128x1xf32> to vector<128x16xf32>
    %sub3A_17 = arith.subf %add3A_15, %sub3A : vector<128x16xf32>
    %exp3A = math.exp %sub3A_17 : vector<128x16xf32>
    %reduce_sum3A_18 = arith.constant dense<0.000000e+00> : vector<128xf32>
    %reduce_sum3A_19 = vector.multi_reduction <add>, %exp3A, %reduce_sum3A_18 [1] : vector<128x16xf32> to vector<128xf32>
    %broadcast_in_dim3A_20 = vector.shape_cast %reduce_sum3A_19 : vector<128xf32> to vector<128x1xf32>
    %log3A = math.log %broadcast_in_dim3A_20 : vector<128x1xf32>
    %add3A_21 = arith.addf %log3A, %broadcast_in_dim3A : vector<128x1xf32>
    %sub3A_22 = vector.broadcast %add3A_21 : vector<128x1xf32> to vector<128x16xf32>
    %sub3A_23 = arith.subf %add3A_15, %sub3A_22 : vector<128x16xf32>
    %swap3A = arith.constant 0 : index
    %swap3A_24 = arith.constant 0 : index
    %swap3A_25 = vector.load %arg5[%swap3A, %swap3A_24] : memref<128x16xf32, #tpu.memory_space<vmem>>, vector<128x16xf32>
    tpu.vector_store %arg5[%swap3A, %swap3A_24], %sub3A_23 {strides = array<i32>} : memref<128x16xf32, #tpu.memory_space<vmem>>, vector<128x16xf32>,
    return
  }
  func.func @transform_0(%arg0: i32) -> (i32, i32, i32) {
    %c0_i32 = arith.constant 0 : i32
    %c0_i32_0 = arith.constant 0 : i32
    %c0_i32_1 = arith.constant 0 : i32
    return %c0_i32, %arg0, %c0_i32_0 : i32, i32, i32
  }
  func.func @transform_1(%arg0: i32) -> (i32, i32) {
    %c0_i32 = arith.constant 0 : i32
    %c0_i32_0 = arith.constant 0 : i32
    return %arg0, %c0_i32 : i32, i32
  }
  func.func @transform_2(%arg0: i32) -> (i32, i32) {
    %c0_i32 = arith.constant 0 : i32
    %c0_i32_0 = arith.constant 0 : i32
    return %arg0, %c0_i32 : i32, i32
  }
  func.func @transform_3(%arg0: i32) -> (i32, i32) {
    %c0_i32 = arith.constant 0 : i32
    %c0_i32_0 = arith.constant 0 : i32
    %c0_i32_1 = arith.constant 0 : i32
    return %c0_i32, %c0_i32_0 : i32, i32
  }
  func.func @transform_4(%arg0: i32) -> (i32, i32) {
    %c0_i32 = arith.constant 0 : i32
    %c0_i32_0 = arith.constant 0 : i32
    return %arg0, %c0_i32 : i32, i32
  }
}

</mosaic_0001>

<sc_bundles>
// kernel: kernel.11.cloned.1.call-start
scs
__scs_entry_jumppad:
0x0: {  	(pc) =	sbr.rel $0x88, $3  }
0x1: {  	(tag) =	ssettag $0x0;
	lr =	simm.s32 $0x1  }
0x2: {  	[smem:$0x3F9B] =	sst lr;
	_ =	strace $0xD0000000  }
0x3: {  	_ = 	snop  }
0x4: {  	_ = 	snop  }
0x5: {  	_ = 	snop  }
0x6: {  	_ = 	snop  }
0x7: {  	_ = 	snop  }
__scs_overlays_trampoline_lowered:
0x8: {  	[smem:$0x3FAA] =	sst s0  }
0x9: {  	[smem:$0x3FAB] =	sst s1  }
0xa: {  	[smem:$0x3FAC] =	sst s2  }
0xb: {  	[smem:$0x3FAD] =	sst s3  }
0xc: {  	[smem:$0x3FAE] =	sst s4  }
0xd: {  	[smem:$0x3FAF] =	sst s5  }
0xe: {  	[smem:$0x3FB0] =	sst s6  }
0xf: {  	[smem:$0x3FB1] =	sst s7  }
0x10: {  	[smem:$0x3FB2] =	sst s8  }
0x11: {  	[smem:$0x3FB3] =	sst s9;
	s0 =	simm.s32 @!p0 $0x0  }
0x12: {  	s1 =	sld [smem:$0x3F99];
	s0 =	simm.s32 @p0 $0x1  }
0x13: {  	[smem:$0x3FB4] =	sst s0;
	s0 =	simm.s32 @!p1 $0x0  }
0x14: {  	s2 =	sld [smem:$0x3F98];
	s0 =	simm.s32 @p1 $0x1  }
0x15: {  	[smem:$0x3FB5] =	sst s0;
	s0 =	simm.s32 @!p2 $0x0  }
0x16: {  	s3 =	sld [smem:$0x3FDB];
	s0 =	simm.s32 @p2 $0x1  }
0x17: {  	s4 =	simm.s32 $0x1BF5;
	[smem:$0x3FB7] =	sst s0  }
0x18: {  	s0 =	sld [smem:$0x3F9A];
	_ =	swait.ge [sflag:s4], $0x0  }
0x19: {  	s7 =	sld [smem:$0x3F9B]  }
0x1a: {  	s8 =	sadd.s32 $0xFFFFE003, lr  }
0x1b: {  	s9 =	sadd.s32 $0xFFFFFEF7, lr;
	s5 =	simm.s32 $0xFFFFFFFF;
	p2 =	slt.u32 s8, $0xFFFFF086  }
0x1c: {  	p1 =	slt.u32 s9, $0xF7A;
	s5 =	simm.s32 @!p2 $0x0  }
0x1d: {  	s5 =	simm.s32 @p1 $0x1;
	p0 =	seq.s32 s7, s2  }
0x1e: {  	s7 =	smul.u32 @!p0 $0xF7A, s2;
	p2 =	seq.s32 @!p0 s5, $0x0  }
0x1f: {  	s9 =	smul.u32 $0xF7A, s1;
	s8 =	simm.s32 @!p0 $0x1BF5;
	p2 =	por !p2, p0  }
0x20: {  	[sflag:s8] =	ssyncset.s32 @!p0 $0xFFFFF086;
	s6 =	sadd.s32 @!p0 s3, s7;
	s7 =	simm.s32 @!p0 $0x108  }
0x21: {  	s3 =	sadd.s32 s3, s9;
	s6 =	sadd.s32 @!p0 $0x88, s6;
	s7 =	simm.s32 @p2 $0x1082  }
0x22: {  	[simem:s7], [sflag:s8] =	dma.local @!p0 [hbm:s6], $0xF7A  }
0x23: {  	s9 =	sor.u32 $0xD0000000, s2;
	s6 =	simm.s32 $0x108;
	_ =	swait.ge @!p0 [sflag:s8], $0x0  }
0x24: {  	s3 =	sadd.s32 $0x88, s3;
	s6 =	simm.s32 @!p1 $0x1082;
	[sflag:s4] =	ssyncset.s32 $0xFFFFF086  }
0x25: {  	[simem:s6], [sflag:s4] =	dma.local [hbm:s3], $0xF7A  }
0x26: {  	[smem:$0x3F9B] =	sst s1;
	(tag) =	ssettag s2;
	_ =	strace s9  }
0x27: {  	s1 =	sld [smem:$0x3FAB]  }
0x28: {  	s2 =	sld [smem:$0x3FAC]  }
0x29: {  	s4 =	sld [smem:$0x3FAE]  }
0x2a: {  	p0 =	seq.s32 s5, $0x0;
	s5 =	sld [smem:$0x3FAF]  }
0x2b: {  	s6 =	sld [smem:$0x3FB0]  }
0x2c: {  	s7 =	sld [smem:$0x3FB1]  }
0x2d: {  	s3 =	simm.s32 $0x108;
	s8 =	sld [smem:$0x3FB2]  }
0x2e: {  	s3 =	simm.s32 @!p0 $0x1082;
	s9 =	sld [smem:$0x3FB3]  }
0x2f: {  	lr =	sadd.s32 s0, s3;
	s0 =	sld [smem:$0x3FAA]  }
0x30: {  	s3 =	sld [smem:$0x3FAD]  }
0x31: {  	[smem:$0x3FB6] =	sst s10  }
0x32: {  	s10 =	sld [smem:$0x3FB4];
	_ =	sdelay $0x3  }
0x33: {  	p0 =	seq.s32 s10, $0x1;
	s10 =	sld [smem:$0x3FB6];
	_ =	sdelay $0x3  }
0x34: {  	[smem:$0x3FB6] =	sst s10  }
0x35: {  	s10 =	sld [smem:$0x3FB5];
	_ =	sdelay $0x3  }
0x36: {  	p1 =	seq.s32 s10, $0x1;
	s10 =	sld [smem:$0x3FB6];
	_ =	sdelay $0x3  }
0x37: {  	[smem:$0x3FB6] =	sst s10  }
0x38: {  	s10 =	sld [smem:$0x3FB7]  }
0x39: {  	_ = 	snop;
	(pc) =	sbr.ind lr, $3  }
0x3a: {  	_ = 	snop  }
0x3b: {  	_ = 	snop  }
0x3c: {  	p2 =	seq.s32 s10, $0x1;
	s10 =	sld [smem:$0x3FB6]  }
0x3d: {  	_ =	shalt  }
0x3e: {  	_ =	shalt  }
0x3f: {  	_ =	shalt  }
0x40: {  	_ =	shalt  }
0x41: {  	_ =	shalt  }
0x42: {  	_ =	shalt  }
0x43: {  	_ =	shalt  }
0x44: {  	_ =	shalt  }
0x45: {  	_ =	shalt  }
0x46: {  	_ =	shalt  }
0x47: {  	_ =	shalt  }
0x48: {  	_ =	shalt  }
0x49: {  	_ =	shalt  }
0x4a: {  	_ =	shalt  }
0x4b: {  	_ =	shalt  }
0x4c: {  	_ =	shalt  }
0x4d: {  	_ =	shalt  }
0x4e: {  	_ =	shalt  }
0x4f: {  	_ =	shalt  }
0x50: {  	_ =	shalt  }
0x51: {  	_ =	shalt  }
0x52: {  	_ =	shalt  }
0x53: {  	_ =	shalt  }
0x54: {  	_ =	shalt  }
0x55: {  	_ =	shalt  }
0x56: {  	_ =	shalt  }
0x57: {  	_ =	shalt  }
0x58: {  	_ =	shalt  }
0x59: {  	_ =	shalt  }
0x5a: {  	_ =	shalt  }
0x5b: {  	_ =	shalt  }
0x5c: {  	_ =	shalt  }
0x5d: {  	_ =	shalt  }
0x5e: {  	_ =	shalt  }
0x5f: {  	_ =	shalt  }
0x60: {  	_ =	shalt  }
0x61: {  	_ =	shalt  }
0x62: {  	_ =	shalt  }
0x63: {  	_ =	shalt  }
0x64: {  	_ =	shalt  }
0x65: {  	_ =	shalt  }
0x66: {  	_ =	shalt  }
0x67: {  	_ =	shalt  }
0x68: {  	_ =	shalt  }
0x69: {  	_ =	shalt  }
0x6a: {  	_ =	shalt  }
0x6b: {  	_ =	shalt  }
0x6c: {  	_ =	shalt  }
0x6d: {  	_ =	shalt  }
0x6e: {  	_ =	shalt  }
0x6f: {  	_ =	shalt  }
0x70: {  	_ =	shalt  }
0x71: {  	_ =	shalt  }
0x72: {  	_ =	shalt  }
0x73: {  	_ =	shalt  }
0x74: {  	_ =	shalt  }
0x75: {  	_ =	shalt  }
0x76: {  	_ =	shalt  }
0x77: {  	_ =	shalt  }
0x78: {  	_ =	shalt  }
0x79: {  	_ =	shalt  }
0x7a: {  	_ =	shalt  }
0x7b: {  	_ =	shalt  }
0x7c: {  	_ =	shalt  }
0x7d: {  	_ =	shalt  }
0x7e: {  	_ =	shalt  }
0x7f: {  	_ =	shalt  }
0x80: {  	_ =	shalt  }
0x81: {  	_ =	shalt  }
0x82: {  	_ =	shalt  }
0x83: {  	_ =	shalt  }
0x84: {  	_ =	shalt  }
0x85: {  	_ =	shalt  }
0x86: {  	_ =	shalt  }
0x87: {  	_ =	shalt  }
.Lfunc_end0:
.L_simem_size_0:
called_computation.1_lowered:
.L_overlay_start_0:
0x88: {  	s2 =	sld [smem:$0x3FD9]  }
0x89: {  	s3 =	sld [smem:$0x3FFE];
	_ =	sdelay $0x1  }
0x8a: {  	s1 =	srdreg.scid  }
0x8b: {  	s0 =	sand.u32 $0x1, s1  }
0x8c: {  	s17 =	sshll.u32 s0, $0xA;
	s2 =	sadd.s32 s3, s2  }
0x8d: {  	s2 =	sadd.s32 s2, s17  }
0x8e: {  	[smem:$0x3FC2] =	sst s2  }
0x8f: {  	_ = 	snop  }
0x90: {  	s2 =	sld [smem:$0x3FD0];
	(tm) =	ssettm $0x1  }
0x91: {  	s18 =	sld [smem:$0x3FFB];
	_ =	sdelay $0x3  }
0x92: {  	_ =	strace s18  }
0x93: {  	s3 =	sld [smem:$0x3FFC];
	_ =	sdelay $0x3  }
0x94: {  	_ =	strace s3  }
0x95: {  	s3 =	sld [smem:$0x3FFD];
	_ =	sdelay $0x3  }
0x96: {  	_ =	strace s3  }
0x97: {  	_ =	strace $0x8FFFFFFF  }
0x98: {  	s19 =	sld [smem:$0x3FDB];
	_ =	sdelay $0x1  }
0x99: {  	s4 =	simm.s32 $_scs_section_size  }
0x9a: {  	s5 =	simm.s32 $_size__tile_overlayer_lowered;
	s6 =	simm.s32 $_tile_overlayer_lowered  }
0x9b: {  	s22 =	simm.s32 $0x1BFF;
	s21 =	sshll.u32 s6, $0x1;
	s3 =	sadd.s32 s4, s19  }
0x9c: {  	s7 =	simm.s32 $0x0;
	s20 =	sshll.u32 s5, $0x1;
	s5 =	sadd.s32 s21, s3  }
0x9d: {  	[timem:s7], [sflag:s22] =	dma.local [hbm:s5], s20  }
0x9e: {  	_ =	swait.ge [sflag:s22], s20  }
0x9f: {  	s4 =	ssub.s32 $0x0, s20;
	[sflag:s22] =	ssyncset.done $0x0  }
0xa0: {  	[sflag:s22] =	ssyncadd.s32 s4;
	_ =	sdelay $0x1  }
0xa1: {  	s23 =	simm.s32 $0x1B8B  }
0xa2: {  	_ =	swait.ge [sflag:s23], $0x1  }
0xa3: {  	[sflag:s23] =	ssyncset.done $0x0  }
0xa4: {  	s25 =	simm.s32 $0x1B8E;
	s24 =	sld [smem:$0x3FFE];
	[sflag:s23] =	ssyncadd.s32 $0xFFFFFFFF  }
0xa5: {  	s26 =	simm.s32 $execute0_lowered;
	[smem:$0x3FD2] =	sst s25  }
0xa6: {  	s5 =	sshll.u32 s26, $0x1;
	_ =	strace $0x80000049;
	[dreg:$0x1] =	wrdreg $0xFFFFFFFF  }
0xa7: {  	s28 =	simm.s32 $_size_execute0_lowered;
	s3 =	sadd.s32 s3, s5;
	[dreg:$0x0] =	wrdreg $0x0  }
0xa8: {  	s5 =	sshll.u32 s28, $0x1;
	[dreg:$0x2] =	wrdreg s3  }
0xa9: {  	[dreg:$0x3] =	wrdreg s5  }
0xaa: {  	[dreg:$0x4] =	wrdreg $0xC0  }
0xab: {  	_ =	task [dreg:s7], $0x5FFFF  }
0xac: {  	[dreg:$0x1] =	wrdreg $0xFFFFFFFF  }
0xad: {  	[dreg:$0x0] =	wrdreg $0x60  }
0xae: {  	[dreg:$0x2] =	wrdreg s2  }
0xaf: {  	[dreg:$0x3] =	wrdreg s24  }
0xb0: {  	[dreg:$0x4] =	wrdreg $0x9  }
0xb1: {  	_ =	task.clear_ibuf [dreg:s7], $0x5FFFF;
	_ =	strace $0x90000049  }
0xb2: {  	s29 =	simm.s32 $0x9;
	_ =	strace $0x8000004B  }
0xb3: {  	_ =	swait.ge [sflag:s29], $0x1  }
0xb4: {  	[sflag:s29] =	ssyncadd.s32 $0xFFFFFFFF  }
0xb5: {  	_ =	strace $0x9000004B  }
0xb6: {  	_ =	sfence  }
0xb7: {  	s30 =	sld [smem:$0x0];
	_ =	sdelay $0x2  }
0xb8: {  	s31 =	sshll.u32 s1, $0xD;
	s1 =	sshrl.u32 s1, $0x2  }
0xb9: {  	s3 =	sand.u32 $0x4000, s31;
	s1 =	sadd.s32 s1, s30  }
0xba: {  	s0 =	sor.u32 s3, s0;
	s1 =	sshll.u32 s1, $0x11  }
0xbb: {  	s0 =	sor.u32 s1, s0  }
0xbc: {  	s0 =	sadd.s32 $0x8F2B, s0  }
0xbd: {  	[sflag:s0] =	ssyncadd.remote.s32 $0x1  }
0xbe: {  	_ =	sfence.sel $0xFFFF  }
0xbf: {  	[dreg:$0x0] =	wrdreg $0xFFFFFFFF;
	(pc) =	sbr.abs _section_cstart, $3  }
0xc0: {  	[dreg:$0x1] =	wrdreg $0xFFFFFFFF  }
0xc1: {  	_ =	task.clear_ibuf [dreg:s7], $0x2FFFF;
	_ =	strace $0x9FFFFFFF  }
0xc2: {  	(tm) =	ssettm $0x7FFFFFFF  }
0xc3: {  	_ =	shalt  }
tec
execute0_lowered:
.L_overlay_start_1:
0x0: {  	(tag) =	ssettag $0x1  }
0x1: {  	s5 =	rddreg [dreg:$0x0]  }
0x2: {  	s0 =	srdreg.scid;
	s6 =	rddreg [dreg:$0x1]  }
0x3: {  	s2 =	simm.s32 $0x0;
	s10 =	simm.s32 $0x1;
	s4 =	sand.u32 $0x1, s0  }
0x4: {  	s11 =	simm.s32 $0x14000;
	s0 =	stileid.u32;
	s1 =	sshll.u32 s4, $0x4  }
0x5: {  	s12 =	simm.s32 $0x15F80;
	s13 =	simm.s32 $0xA000;
	s3 =	sor.u32 s0, s1  }
0x6: {  	s14 =	simm.s32 $0x0;
	[smem:$0x7FF] =	sst s2;
	s3 =	sshrl.u32 s3, $0x3  }
0x7: {  	s30 =	sshll.u32 s0, $0x7;
	s31 =	ssub.s32 $0x2, s4;
	s7 =	smul.u32 $0x50000, s3  }
0x8: {  	s4 =	sadd.s32 $0xB600, s6;
	s1 =	rddreg [dreg:$0x2];
	s8 =	sand.u32 $0x380, s30  }
0x9: {  	_ =	strace $0x8000004A;
	s9 =	sshrl.u32 s31, $0x1;
	s7 =	sor.u32 s8, s7  }
0xa: {  	s3 =	sadd.s32 $0x1800, s6;
	s8 =	ssub.s32 s31, s9;
	s7 =	sshrl.u32 s7, $0x3  }
0xb: {  	s9 =	simm.s32 $0x400;
	s6 =	sadd.s32 s7, s6;
	s5 =	sadd.s32 s5, s7  }
0xc: {  	v0 =	vimm.f32 $0.0e+00;
	s7 =	smax.u32 s8, $0x1;
	s8 =	simm.s32 $0x80;
	s6 =	sadd.s32 $0x15400, s6  }
.LBB2_1:
0xd: {  	[tilespmem:s2], [sflag:$0x1] =	stream.strided.gather [hbm4b:s5+s8], $0xA000, s9, s8, $0x38;
	[tilespmem:$0x17F00] =	vst v63  }
0xe: {  	_ =	swait.ge [sflag:s10], $0xA000  }
0xf: {  	[sflag:s10] =	ssyncset.done $0x0  }
0x10: {  	s15 =	simm.s32 $0x0;
	[sflag:s10] =	ssyncadd.s32 $0xFFFF6000  }
.LBB2_2:
0x11: {  	p0 =	sne.s32 s15, $0x27FC0  }
.Ltmp0:
0x12: {  	_ = 	snop;
	(pc) =	sbr.rel @p0 .LBB2_2-.Ltmp0, $3  }
0x13: {  	_ =	sdelay $0x1  }
0x14: {  	s16 =	sshra.s32 s15, $0x2  }
0x15: {  	s15 =	sadd.s32 $0x40, s15;
	[tilespmem:s16+$0xA000] =	vst v0  }
0x16: {  	s15 =	simm.s32 $0x0  }
.LBB2_4:
0x17: {  	s16 =	smul.u32 $0x3E8, s15;
	_ =	sdelay $0x1  }
0x18: {  	s17 =	sadd.s32 s3, s16  }
0x19: {  	[tilespmem:s11], [sflag:$0x1] =	stream.linear.gather [hbm4b:s17+s2], $0x1F40, $0x38;
	[tilespmem:$0x17F00] =	vst v63  }
0x1a: {  	_ =	swait.ge [sflag:s10], $0x1F40  }
0x1b: {  	[sflag:s10] =	ssyncset.done $0x0  }
0x1c: {  	s16 =	sadd.s32 s4, s16;
	[sflag:s10] =	ssyncadd.s32 $0xFFFFE0C0  }
0x1d: {  	[tilespmem:s12], [sflag:$0x1] =	stream.linear.gather [hbm4b:s16+s2], $0x1F40, $0x38;
	[tilespmem:$0x17F00] =	vst v63  }
0x1e: {  	_ =	swait.ge [sflag:s10], $0x1F40  }
0x1f: {  	s18 =	simm.s32 $0x14020;
	[sflag:s10] =	ssyncset.done $0x0  }
0x20: {  	s17 =	simm.s32 $0x15FA0;
	s16 =	simm.s32 $0xFFFFFFFC;
	[sflag:s10] =	ssyncadd.s32 $0xFFFFE0C0  }
.LBB2_5:
0x21: {  	v1 =	vld [tilespmem:s18+$0xFFFFFFE0];
	_ =	sdelay $0x4  }
0x22: {  	v2 =	vld [tilespmem:s17+$0xFFFFFFE0];
	v1 =	vshll.u32 v1, $0x2;
	_ =	sdelay $0x4  }
0x23: {  	v2 =	vshll.u32 v2, $0x2;
	v3 =	vld.idx.msk [tilespmem:v1+s2+$0x0], $0xffff  }
0x24: {  	v4 =	vor.u32 $0x1, v1;
	_ =	sdelay $0x3  }
0x25: {  	[tilespmem:v2+s13+$0x0] =	vst.idx.add.f32.msk $0xffff, v3  }
0x26: {  	v50 =	vor.u32 $0x1, v2;
	v3 =	vld.idx.msk [tilespmem:v4+s2+$0x0], $0xffff  }
0x27: {  	v5 =	vor.u32 $0x2, v1;
	_ =	sdelay $0x3  }
0x28: {  	[tilespmem:v50+s13+$0x0] =	vst.idx.add.f32.msk $0xffff, v3  }
0x29: {  	v51 =	vor.u32 $0x2, v2;
	v3 =	vld.idx.msk [tilespmem:v5+s2+$0x0], $0xffff  }
0x2a: {  	v1 =	vor.u32 $0x3, v1;
	_ =	sdelay $0x3  }
0x2b: {  	[tilespmem:v51+s13+$0x0] =	vst.idx.add.f32.msk $0xffff, v3  }
0x2c: {  	v2 =	vor.u32 $0x3, v2;
	v1 =	vld.idx.msk [tilespmem:v1+s2+$0x0], $0xffff;
	_ =	sdelay $0x4  }
0x2d: {  	[tilespmem:v2+s13+$0x0] =	vst.idx.add.f32.msk $0xffff, v1  }
0x2e: {  	v1 =	vld [tilespmem:s18+$0xFFFFFFF0];
	_ =	sdelay $0x4  }
0x2f: {  	v2 =	vld [tilespmem:s17+$0xFFFFFFF0];
	v1 =	vshll.u32 v1, $0x2;
	_ =	sdelay $0x4  }
0x30: {  	v2 =	vshll.u32 v2, $0x2;
	v3 =	vld.idx.msk [tilespmem:v1+s2+$0x0], $0xffff  }
0x31: {  	v52 =	vor.u32 $0x1, v1;
	_ =	sdelay $0x3  }
0x32: {  	[tilespmem:v2+s13+$0x0] =	vst.idx.add.f32.msk $0xffff, v3  }
0x33: {  	v53 =	vor.u32 $0x1, v2;
	v3 =	vld.idx.msk [tilespmem:v52+s2+$0x0], $0xffff  }
0x34: {  	v54 =	vor.u32 $0x2, v1;
	_ =	sdelay $0x3  }
0x35: {  	[tilespmem:v53+s13+$0x0] =	vst.idx.add.f32.msk $0xffff, v3  }
0x36: {  	v55 =	vor.u32 $0x2, v2;
	v3 =	vld.idx.msk [tilespmem:v54+s2+$0x0], $0xffff  }
0x37: {  	v1 =	vor.u32 $0x3, v1;
	_ =	sdelay $0x3  }
0x38: {  	[tilespmem:v55+s13+$0x0] =	vst.idx.add.f32.msk $0xffff, v3  }
0x39: {  	v2 =	vor.u32 $0x3, v2;
	v1 =	vld.idx.msk [tilespmem:v1+s2+$0x0], $0xffff;
	_ =	sdelay $0x4  }
0x3a: {  	[tilespmem:v2+s13+$0x0] =	vst.idx.add.f32.msk $0xffff, v1  }
0x3b: {  	v1 =	vld [tilespmem:s18+$0x0];
	_ =	sdelay $0x4  }
0x3c: {  	v2 =	vld [tilespmem:s17+$0x0];
	v1 =	vshll.u32 v1, $0x2;
	_ =	sdelay $0x4  }
0x3d: {  	v2 =	vshll.u32 v2, $0x2;
	v3 =	vld.idx.msk [tilespmem:v1+s2+$0x0], $0xffff  }
0x3e: {  	v56 =	vor.u32 $0x1, v1;
	_ =	sdelay $0x3  }
0x3f: {  	[tilespmem:v2+s13+$0x0] =	vst.idx.add.f32.msk $0xffff, v3  }
0x40: {  	v57 =	vor.u32 $0x1, v2;
	v3 =	vld.idx.msk [tilespmem:v56+s2+$0x0], $0xffff  }
0x41: {  	v58 =	vor.u32 $0x2, v1;
	_ =	sdelay $0x3  }
0x42: {  	[tilespmem:v57+s13+$0x0] =	vst.idx.add.f32.msk $0xffff, v3  }
0x43: {  	v59 =	vor.u32 $0x2, v2;
	v3 =	vld.idx.msk [tilespmem:v58+s2+$0x0], $0xffff  }
0x44: {  	v1 =	vor.u32 $0x3, v1;
	_ =	sdelay $0x3  }
0x45: {  	[tilespmem:v59+s13+$0x0] =	vst.idx.add.f32.msk $0xffff, v3  }
0x46: {  	v2 =	vor.u32 $0x3, v2;
	v1 =	vld.idx.msk [tilespmem:v1+s2+$0x0], $0xffff;
	_ =	sdelay $0x4  }
0x47: {  	[tilespmem:v2+s13+$0x0] =	vst.idx.add.f32.msk $0xffff, v1  }
0x48: {  	v1 =	vld [tilespmem:s18+$0x10];
	_ =	sdelay $0x4  }
0x49: {  	v2 =	vld [tilespmem:s17+$0x10];
	v1 =	vshll.u32 v1, $0x2;
	_ =	sdelay $0x4  }
0x4a: {  	v2 =	vshll.u32 v2, $0x2;
	v3 =	vld.idx.msk [tilespmem:v1+s2+$0x0], $0xffff  }
0x4b: {  	v60 =	vor.u32 $0x1, v1;
	_ =	sdelay $0x3  }
0x4c: {  	[tilespmem:v2+s13+$0x0] =	vst.idx.add.f32.msk $0xffff, v3  }
0x4d: {  	v61 =	vor.u32 $0x1, v2;
	v3 =	vld.idx.msk [tilespmem:v60+s2+$0x0], $0xffff  }
0x4e: {  	v62 =	vor.u32 $0x2, v1;
	_ =	sdelay $0x3  }
0x4f: {  	[tilespmem:v61+s13+$0x0] =	vst.idx.add.f32.msk $0xffff, v3  }
0x50: {  	v63 =	vor.u32 $0x2, v2;
	v3 =	vld.idx.msk [tilespmem:v62+s2+$0x0], $0xffff  }
0x51: {  	v1 =	vor.u32 $0x3, v1;
	_ =	sdelay $0x3  }
0x52: {  	s16 =	sadd.s32 $0x4, s16;
	[tilespmem:v63+s13+$0x0] =	vst.idx.add.f32.msk $0xffff, v3  }
0x53: {  	p0 =	slt.u32 s16, $0x1F0;
	v2 =	vor.u32 $0x3, v2;
	v1 =	vld.idx.msk [tilespmem:v1+s2+$0x0], $0xffff  }
.Ltmp1:
0x54: {  	_ = 	snop;
	(pc) =	sbr.rel @p0 .LBB2_5-.Ltmp1, $2  }
0x55: {  	_ =	sdelay $0x2  }
0x56: {  	s17 =	sadd.s32 $0x40, s17;
	s18 =	sadd.s32 $0x40, s18;
	[tilespmem:v2+s13+$0x0] =	vst.idx.add.f32.msk $0xffff, v1  }
0x57: {  	s15 =	sadd.s32 $0x1, s15  }
0x58: {  	p0 =	sne.s32 s15, $0x28  }
.Ltmp2:
0x59: {  	_ = 	snop;
	(pc) =	sbr.rel @p0 .LBB2_4-.Ltmp2, $1  }
0x5a: {  	_ =	sdelay $0x3  }
0x5b: {  	s14 =	sadd.s32 $0x1, s14  }
0x5c: {  	p0 =	sne.s32 s14, s7  }
.Ltmp3:
0x5d: {  	_ = 	snop;
	(pc) =	sbr.rel @p0 .LBB2_1-.Ltmp3, $4  }
0x5e: {  	[hbm4b:s6+s8] =	stream.strided.scatter [tilespmem:s13], [sflag:$0x1], $0xA000, s9, s8, $0x38;
	[tilespmem:$0x17F00] =	vst v63  }
0x5f: {  	_ =	swait.ge [sflag:s10], $0xA000  }
0x60: {  	[sflag:s10] =	ssyncset.done $0x0  }
0x61: {  	[sflag:s10] =	ssyncadd.s32 $0xFFFF6000  }
0x62: {  	_ =	sfence.sel $0x180000  }
0x63: {  	[bflag:$0x0] =	sbarrier.arrive $0xFFFF  }
0x64: {  	p0 =	sne.s32 s0, $0x0;
	_ =	strace $0x9000004A  }
0x65: {  	s0 =	sadd.s32 @!p0 $0x100000, s1;
	[bflag:$0x2] =	sbarrier.arrive $0xFFFF  }
0x66: {  	[sflag:s0] =	ssyncadd.tile.s32 @!p0 $0x1;
	_ =	shalt  }
.Lfunc_end2:
_tile_overlayer_lowered:
.L_overlay_start_2:
0x67: {  	(tag) =	ssettag $0x2  }
0x68: {  	s0 =	rddreg [dreg:$0x0];
	s2 =	stileid.u32  }
0x69: {  	s1 =	rddreg [dreg:$0x1];
	p0 =	sne.s32 s2, $0x0  }
0x6a: {  	s3 =	rddreg [dreg:$0x2];
	[bflag:$0x3] =	sbarrier.arrive $0xFFFF;
	s2 =	simm.s32 @!p0 $0x1C01  }
0x6b: {  	[timem:s3], [sflag:s2] =	dma.local @!p0 [hbm:s0], s1  }
0x6c: {  	s0 =	simm.s32 @!p0 $0x1  }
0x6d: {  	_ =	swait.ge @!p0 [sflag:s0], s1  }
0x6e: {  	s1 =	ssub.s32 @!p0 $0x0, s1;
	[sflag:s0] =	ssyncset.done @!p0 $0x0  }
0x6f: {  	[sflag:s0] =	ssyncadd.s32 @!p0 s1  }
0x70: {  	[bflag:$0x3] =	sbarrier.arrive $0xFFFF  }
0x71: {  	_ =	shalt  }

// kernel: kernel.14.cloned.1.call-start
scs
__scs_entry_jumppad:
0x0: {  	(pc) =	sbr.rel $0x88, $3  }
0x1: {  	(tag) =	ssettag $0x0;
	lr =	simm.s32 $0x1  }
0x2: {  	[smem:$0x3F9B] =	sst lr;
	_ =	strace $0xD0000000  }
0x3: {  	_ = 	snop  }
0x4: {  	_ = 	snop  }
0x5: {  	_ = 	snop  }
0x6: {  	_ = 	snop  }
0x7: {  	_ = 	snop  }
__scs_overlays_trampoline_lowered:
0x8: {  	[smem:$0x3FAA] =	sst s0  }
0x9: {  	[smem:$0x3FAB] =	sst s1  }
0xa: {  	[smem:$0x3FAC] =	sst s2  }
0xb: {  	[smem:$0x3FAD] =	sst s3  }
0xc: {  	[smem:$0x3FAE] =	sst s4  }
0xd: {  	[smem:$0x3FAF] =	sst s5  }
0xe: {  	[smem:$0x3FB0] =	sst s6  }
0xf: {  	[smem:$0x3FB1] =	sst s7  }
0x10: {  	[smem:$0x3FB2] =	sst s8  }
0x11: {  	[smem:$0x3FB3] =	sst s9;
	s0 =	simm.s32 @!p0 $0x0  }
0x12: {  	s1 =	sld [smem:$0x3F99];
	s0 =	simm.s32 @p0 $0x1  }
0x13: {  	[smem:$0x3FB4] =	sst s0;
	s0 =	simm.s32 @!p1 $0x0  }
0x14: {  	s2 =	sld [smem:$0x3F98];
	s0 =	simm.s32 @p1 $0x1  }
0x15: {  	[smem:$0x3FB5] =	sst s0;
	s0 =	simm.s32 @!p2 $0x0  }
0x16: {  	s3 =	sld [smem:$0x3FDB];
	s0 =	simm.s32 @p2 $0x1  }
0x17: {  	s4 =	simm.s32 $0x1BF5;
	[smem:$0x3FB7] =	sst s0  }
0x18: {  	s0 =	sld [smem:$0x3F9A];
	_ =	swait.ge [sflag:s4], $0x0  }
0x19: {  	s7 =	sld [smem:$0x3F9B]  }
0x1a: {  	s8 =	sadd.s32 $0xFFFFE003, lr  }
0x1b: {  	s9 =	sadd.s32 $0xFFFFFEF7, lr;
	s5 =	simm.s32 $0xFFFFFFFF;
	p2 =	slt.u32 s8, $0xFFFFF086  }
0x1c: {  	p1 =	slt.u32 s9, $0xF7A;
	s5 =	simm.s32 @!p2 $0x0  }
0x1d: {  	s5 =	simm.s32 @p1 $0x1;
	p0 =	seq.s32 s7, s2  }
0x1e: {  	s7 =	smul.u32 @!p0 $0xF7A, s2;
	p2 =	seq.s32 @!p0 s5, $0x0  }
0x1f: {  	s9 =	smul.u32 $0xF7A, s1;
	s8 =	simm.s32 @!p0 $0x1BF5;
	p2 =	por !p2, p0  }
0x20: {  	[sflag:s8] =	ssyncset.s32 @!p0 $0xFFFFF086;
	s6 =	sadd.s32 @!p0 s3, s7;
	s7 =	simm.s32 @!p0 $0x108  }
0x21: {  	s3 =	sadd.s32 s3, s9;
	s6 =	sadd.s32 @!p0 $0x88, s6;
	s7 =	simm.s32 @p2 $0x1082  }
0x22: {  	[simem:s7], [sflag:s8] =	dma.local @!p0 [hbm:s6], $0xF7A  }
0x23: {  	s9 =	sor.u32 $0xD0000000, s2;
	s6 =	simm.s32 $0x108;
	_ =	swait.ge @!p0 [sflag:s8], $0x0  }
0x24: {  	s3 =	sadd.s32 $0x88, s3;
	s6 =	simm.s32 @!p1 $0x1082;
	[sflag:s4] =	ssyncset.s32 $0xFFFFF086  }
0x25: {  	[simem:s6], [sflag:s4] =	dma.local [hbm:s3], $0xF7A  }
0x26: {  	[smem:$0x3F9B] =	sst s1;
	(tag) =	ssettag s2;
	_ =	strace s9  }
0x27: {  	s1 =	sld [smem:$0x3FAB]  }
0x28: {  	s2 =	sld [smem:$0x3FAC]  }
0x29: {  	s4 =	sld [smem:$0x3FAE]  }
0x2a: {  	p0 =	seq.s32 s5, $0x0;
	s5 =	sld [smem:$0x3FAF]  }
0x2b: {  	s6 =	sld [smem:$0x3FB0]  }
0x2c: {  	s7 =	sld [smem:$0x3FB1]  }
0x2d: {  	s3 =	simm.s32 $0x108;
	s8 =	sld [smem:$0x3FB2]  }
0x2e: {  	s3 =	simm.s32 @!p0 $0x1082;
	s9 =	sld [smem:$0x3FB3]  }
0x2f: {  	lr =	sadd.s32 s0, s3;
	s0 =	sld [smem:$0x3FAA]  }
0x30: {  	s3 =	sld [smem:$0x3FAD]  }
0x31: {  	[smem:$0x3FB6] =	sst s10  }
0x32: {  	s10 =	sld [smem:$0x3FB4];
	_ =	sdelay $0x3  }
0x33: {  	p0 =	seq.s32 s10, $0x1;
	s10 =	sld [smem:$0x3FB6];
	_ =	sdelay $0x3  }
0x34: {  	[smem:$0x3FB6] =	sst s10  }
0x35: {  	s10 =	sld [smem:$0x3FB5];
	_ =	sdelay $0x3  }
0x36: {  	p1 =	seq.s32 s10, $0x1;
	s10 =	sld [smem:$0x3FB6];
	_ =	sdelay $0x3  }
0x37: {  	[smem:$0x3FB6] =	sst s10  }
0x38: {  	s10 =	sld [smem:$0x3FB7]  }
0x39: {  	_ = 	snop;
	(pc) =	sbr.ind lr, $3  }
0x3a: {  	_ = 	snop  }
0x3b: {  	_ = 	snop  }
0x3c: {  	p2 =	seq.s32 s10, $0x1;
	s10 =	sld [smem:$0x3FB6]  }
0x3d: {  	_ =	shalt  }
0x3e: {  	_ =	shalt  }
0x3f: {  	_ =	shalt  }
0x40: {  	_ =	shalt  }
0x41: {  	_ =	shalt  }
0x42: {  	_ =	shalt  }
0x43: {  	_ =	shalt  }
0x44: {  	_ =	shalt  }
0x45: {  	_ =	shalt  }
0x46: {  	_ =	shalt  }
0x47: {  	_ =	shalt  }
0x48: {  	_ =	shalt  }
0x49: {  	_ =	shalt  }
0x4a: {  	_ =	shalt  }
0x4b: {  	_ =	shalt  }
0x4c: {  	_ =	shalt  }
0x4d: {  	_ =	shalt  }
0x4e: {  	_ =	shalt  }
0x4f: {  	_ =	shalt  }
0x50: {  	_ =	shalt  }
0x51: {  	_ =	shalt  }
0x52: {  	_ =	shalt  }
0x53: {  	_ =	shalt  }
0x54: {  	_ =	shalt  }
0x55: {  	_ =	shalt  }
0x56: {  	_ =	shalt  }
0x57: {  	_ =	shalt  }
0x58: {  	_ =	shalt  }
0x59: {  	_ =	shalt  }
0x5a: {  	_ =	shalt  }
0x5b: {  	_ =	shalt  }
0x5c: {  	_ =	shalt  }
0x5d: {  	_ =	shalt  }
0x5e: {  	_ =	shalt  }
0x5f: {  	_ =	shalt  }
0x60: {  	_ =	shalt  }
0x61: {  	_ =	shalt  }
0x62: {  	_ =	shalt  }
0x63: {  	_ =	shalt  }
0x64: {  	_ =	shalt  }
0x65: {  	_ =	shalt  }
0x66: {  	_ =	shalt  }
0x67: {  	_ =	shalt  }
0x68: {  	_ =	shalt  }
0x69: {  	_ =	shalt  }
0x6a: {  	_ =	shalt  }
0x6b: {  	_ =	shalt  }
0x6c: {  	_ =	shalt  }
0x6d: {  	_ =	shalt  }
0x6e: {  	_ =	shalt  }
0x6f: {  	_ =	shalt  }
0x70: {  	_ =	shalt  }
0x71: {  	_ =	shalt  }
0x72: {  	_ =	shalt  }
0x73: {  	_ =	shalt  }
0x74: {  	_ =	shalt  }
0x75: {  	_ =	shalt  }
0x76: {  	_ =	shalt  }
0x77: {  	_ =	shalt  }
0x78: {  	_ =	shalt  }
0x79: {  	_ =	shalt  }
0x7a: {  	_ =	shalt  }
0x7b: {  	_ =	shalt  }
0x7c: {  	_ =	shalt  }
0x7d: {  	_ =	shalt  }
0x7e: {  	_ =	shalt  }
0x7f: {  	_ =	shalt  }
0x80: {  	_ =	shalt  }
0x81: {  	_ =	shalt  }
0x82: {  	_ =	shalt  }
0x83: {  	_ =	shalt  }
0x84: {  	_ =	shalt  }
0x85: {  	_ =	shalt  }
0x86: {  	_ =	shalt  }
0x87: {  	_ =	shalt  }
.Lfunc_end0:
.L_simem_size_0:
called_computation.2_lowered:
.L_overlay_start_0:
0x88: {  	s2 =	sld [smem:$0x3FD9]  }
0x89: {  	s3 =	sld [smem:$0x3FFE];
	_ =	sdelay $0x1  }
0x8a: {  	s1 =	srdreg.scid  }
0x8b: {  	s0 =	sand.u32 $0x1, s1  }
0x8c: {  	s17 =	sshll.u32 s0, $0xA;
	s2 =	sadd.s32 s3, s2  }
0x8d: {  	s2 =	sadd.s32 s2, s17  }
0x8e: {  	[smem:$0x3FC2] =	sst s2  }
0x8f: {  	_ = 	snop  }
0x90: {  	s2 =	sld [smem:$0x3FD0];
	(tm) =	ssettm $0x1  }
0x91: {  	s18 =	sld [smem:$0x3FFB];
	_ =	sdelay $0x3  }
0x92: {  	_ =	strace s18  }
0x93: {  	s3 =	sld [smem:$0x3FFC];
	_ =	sdelay $0x3  }
0x94: {  	_ =	strace s3  }
0x95: {  	s3 =	sld [smem:$0x3FFD];
	_ =	sdelay $0x3  }
0x96: {  	_ =	strace s3  }
0x97: {  	_ =	strace $0x8FFFFFFF  }
0x98: {  	s19 =	sld [smem:$0x3FDB];
	_ =	sdelay $0x1  }
0x99: {  	s4 =	simm.s32 $_scs_section_size  }
0x9a: {  	s5 =	simm.s32 $_size__tile_overlayer_lowered;
	s6 =	simm.s32 $_tile_overlayer_lowered  }
0x9b: {  	s22 =	simm.s32 $0x1BFF;
	s21 =	sshll.u32 s6, $0x1;
	s3 =	sadd.s32 s4, s19  }
0x9c: {  	s7 =	simm.s32 $0x0;
	s20 =	sshll.u32 s5, $0x1;
	s5 =	sadd.s32 s21, s3  }
0x9d: {  	[timem:s7], [sflag:s22] =	dma.local [hbm:s5], s20  }
0x9e: {  	_ =	swait.ge [sflag:s22], s20  }
0x9f: {  	s4 =	ssub.s32 $0x0, s20;
	[sflag:s22] =	ssyncset.done $0x0  }
0xa0: {  	[sflag:s22] =	ssyncadd.s32 s4;
	_ =	sdelay $0x1  }
0xa1: {  	s23 =	simm.s32 $0x1B8B  }
0xa2: {  	_ =	swait.ge [sflag:s23], $0x1  }
0xa3: {  	[sflag:s23] =	ssyncset.done $0x0  }
0xa4: {  	s25 =	simm.s32 $0x1B8E;
	s24 =	sld [smem:$0x3FFE];
	[sflag:s23] =	ssyncadd.s32 $0xFFFFFFFF  }
0xa5: {  	s26 =	simm.s32 $execute0_lowered;
	[smem:$0x3FD2] =	sst s25  }
0xa6: {  	s5 =	sshll.u32 s26, $0x1;
	_ =	strace $0x8000004C;
	[dreg:$0x1] =	wrdreg $0xFFFFFFFF  }
0xa7: {  	s28 =	simm.s32 $_size_execute0_lowered;
	s3 =	sadd.s32 s3, s5;
	[dreg:$0x0] =	wrdreg $0x0  }
0xa8: {  	s5 =	sshll.u32 s28, $0x1;
	[dreg:$0x2] =	wrdreg s3  }
0xa9: {  	[dreg:$0x3] =	wrdreg s5  }
0xaa: {  	[dreg:$0x4] =	wrdreg $0xC0  }
0xab: {  	_ =	task [dreg:s7], $0x5FFFF  }
0xac: {  	[dreg:$0x1] =	wrdreg $0xFFFFFFFF  }
0xad: {  	[dreg:$0x0] =	wrdreg $0x60  }
0xae: {  	[dreg:$0x2] =	wrdreg s24  }
0xaf: {  	[dreg:$0x3] =	wrdreg s2  }
0xb0: {  	[dreg:$0x4] =	wrdreg $0x9  }
0xb1: {  	_ =	task.clear_ibuf [dreg:s7], $0x5FFFF;
	_ =	strace $0x9000004C  }
0xb2: {  	s29 =	simm.s32 $0x9;
	_ =	strace $0x8000004E  }
0xb3: {  	_ =	swait.ge [sflag:s29], $0x1  }
0xb4: {  	[sflag:s29] =	ssyncadd.s32 $0xFFFFFFFF  }
0xb5: {  	_ =	strace $0x9000004E  }
0xb6: {  	_ =	sfence  }
0xb7: {  	s30 =	sld [smem:$0x0];
	_ =	sdelay $0x2  }
0xb8: {  	s31 =	sshll.u32 s1, $0xD;
	s1 =	sshrl.u32 s1, $0x2  }
0xb9: {  	s3 =	sand.u32 $0x4000, s31;
	s1 =	sadd.s32 s1, s30  }
0xba: {  	s0 =	sor.u32 s3, s0;
	s1 =	sshll.u32 s1, $0x11  }
0xbb: {  	s0 =	sor.u32 s1, s0  }
0xbc: {  	s0 =	sadd.s32 $0x8F2B, s0  }
0xbd: {  	[sflag:s0] =	ssyncadd.remote.s32 $0x1  }
0xbe: {  	_ =	sfence.sel $0xFFFF  }
0xbf: {  	[dreg:$0x0] =	wrdreg $0xFFFFFFFF;
	(pc) =	sbr.abs _section_cstart, $3  }
0xc0: {  	[dreg:$0x1] =	wrdreg $0xFFFFFFFF  }
0xc1: {  	_ =	task.clear_ibuf [dreg:s7], $0x2FFFF;
	_ =	strace $0x9FFFFFFF  }
0xc2: {  	(tm) =	ssettm $0x7FFFFFFF  }
0xc3: {  	_ =	shalt  }
tec
execute0_lowered:
.L_overlay_start_1:
0x0: {  	(tag) =	ssettag $0x1  }
0x1: {  	s4 =	rddreg [dreg:$0x0]  }
0x2: {  	s8 =	rddreg [dreg:$0x1]  }
0x3: {  	s0 =	rddreg [dreg:$0x2]  }
0x4: {  	s2 =	simm.s32 $0x0;
	s1 =	stileid.u32;
	s3 =	srdreg.scid  }
0x5: {  	s13 =	simm.s32 $0x15F80;
	s14 =	simm.s32 $0xA000;
	s15 =	simm.s32 $0x400  }
0x6: {  	s16 =	simm.s32 $0x0;
	[smem:$0x7FF] =	sst s2;
	s5 =	sand.u32 $0x3, s1  }
0x7: {  	s6 =	sand.u32 $0x1, s3;
	s3 =	sadd.s32 $0x1800, s4;
	s30 =	sshll.u32 s1, $0x7  }
0x8: {  	_ =	strace $0x8000004D;
	s26 =	sshll.u32 s5, $0x4;
	s7 =	sshll.u32 s6, $0x4  }
0x9: {  	s6 =	ssub.s32 $0x2, s6;
	p0 =	sne.s32 s5, $0x0;
	s12 =	sand.u32 $0x380, s30  }
0xa: {  	s5 =	simm.s32 $0x1;
	s9 =	sadd.s32 s26, s4;
	s7 =	sor.u32 s1, s7  }
0xb: {  	s4 =	sadd.s32 $0xB600, s4;
	p1 =	seq.s32 s7, $0x0;
	s29 =	sshrl.u32 s7, $0x3  }
0xc: {  	s28 =	sshrl.u32 s6, $0x1;
	p0 =	por !p0, !p1;
	s11 =	smul.u32 $0x50000, s29  }
0xd: {  	s10 =	ssub.s32 s6, s28;
	s6 =	simm.s32 $0x1;
	p0 =	por !p0, !p0  }
0xe: {  	s7 =	sshrl.u32 s7, $0x2;
	s6 =	simm.s32 @!p0 $0x0;
	s11 =	sor.u32 s12, s11  }
0xf: {  	s12 =	simm.s32 $0x14000;
	s6 =	ssub.s32 s7, s6;
	s7 =	sadd.s32 $0xB5400, s9  }
0x10: {  	s31 =	sshrl.u32 s11, $0x3;
	s9 =	smax.u32 s10, $0x1;
	s10 =	simm.s32 $0x80  }
0x11: {  	v0 =	vimm.f32 $0.0e+00;
	s11 =	simm.s32 $0x200;
	s6 =	smul.u32 $0x9C40, s6;
	s8 =	sadd.s32 s8, s31  }
.LBB2_1:
0x12: {  	[tilespmem:s2], [sflag:$0x1] =	stream.strided.gather [hbm4b:s7+s10], $0xA000, s11, s10, $0x38;
	[tilespmem:$0x17F00] =	vst v63  }
0x13: {  	_ =	swait.ge [sflag:s5], $0xA000  }
0x14: {  	[sflag:s5] =	ssyncset.done $0x0  }
0x15: {  	s17 =	simm.s32 $0x0;
	[sflag:s5] =	ssyncadd.s32 $0xFFFF6000  }
.LBB2_2:
0x16: {  	p0 =	sne.s32 s17, $0x27FC0  }
.Ltmp0:
0x17: {  	_ = 	snop;
	(pc) =	sbr.rel @p0 .LBB2_2-.Ltmp0, $3  }
0x18: {  	_ =	sdelay $0x1  }
0x19: {  	s18 =	sshra.s32 s17, $0x2  }
0x1a: {  	s17 =	sadd.s32 $0x40, s17;
	[tilespmem:s18+$0xA000] =	vst v0  }
0x1b: {  	s17 =	simm.s32 $0x0  }
.LBB2_4:
0x1c: {  	s18 =	smul.u32 $0x1F40, s17;
	_ =	sdelay $0x1  }
0x1d: {  	s18 =	sadd.s32 s6, s18  }
0x1e: {  	s18 =	sshrl.u32 s18, $0x3  }
0x1f: {  	s19 =	sadd.s32 s3, s18  }
0x20: {  	[tilespmem:s12], [sflag:$0x1] =	stream.linear.gather [hbm4b:s19+s2], $0x1F40, $0x38;
	[tilespmem:$0x17F00] =	vst v63  }
0x21: {  	_ =	swait.ge [sflag:s5], $0x1F40  }
0x22: {  	[sflag:s5] =	ssyncset.done $0x0  }
0x23: {  	s18 =	sadd.s32 s4, s18;
	[sflag:s5] =	ssyncadd.s32 $0xFFFFE0C0  }
0x24: {  	[tilespmem:s13], [sflag:$0x1] =	stream.linear.gather [hbm4b:s18+s2], $0x1F40, $0x38;
	[tilespmem:$0x17F00] =	vst v63  }
0x25: {  	_ =	swait.ge [sflag:s5], $0x1F40  }
0x26: {  	s20 =	simm.s32 $0x14020;
	[sflag:s5] =	ssyncset.done $0x0  }
0x27: {  	s19 =	simm.s32 $0x15FA0;
	s18 =	simm.s32 $0xFFFFFFFC;
	[sflag:s5] =	ssyncadd.s32 $0xFFFFE0C0  }
.LBB2_5:
0x28: {  	v1 =	vld [tilespmem:s20+$0xFFFFFFE0];
	_ =	sdelay $0x4  }
0x29: {  	v2 =	vld [tilespmem:s19+$0xFFFFFFE0];
	v1 =	vshll.u32 v1, $0x2;
	_ =	sdelay $0x4  }
0x2a: {  	v2 =	vshll.u32 v2, $0x2;
	v3 =	vld.idx.msk [tilespmem:v1+s2+$0x0], $0xffff  }
0x2b: {  	v4 =	vor.u32 $0x1, v1;
	_ =	sdelay $0x3  }
0x2c: {  	[tilespmem:v2+s14+$0x0] =	vst.idx.add.f32.msk $0xffff, v3  }
0x2d: {  	v50 =	vor.u32 $0x1, v2;
	v3 =	vld.idx.msk [tilespmem:v4+s2+$0x0], $0xffff  }
0x2e: {  	v5 =	vor.u32 $0x2, v1;
	_ =	sdelay $0x3  }
0x2f: {  	[tilespmem:v50+s14+$0x0] =	vst.idx.add.f32.msk $0xffff, v3  }
0x30: {  	v51 =	vor.u32 $0x2, v2;
	v3 =	vld.idx.msk [tilespmem:v5+s2+$0x0], $0xffff  }
0x31: {  	v1 =	vor.u32 $0x3, v1;
	_ =	sdelay $0x3  }
0x32: {  	[tilespmem:v51+s14+$0x0] =	vst.idx.add.f32.msk $0xffff, v3  }
0x33: {  	v2 =	vor.u32 $0x3, v2;
	v1 =	vld.idx.msk [tilespmem:v1+s2+$0x0], $0xffff;
	_ =	sdelay $0x4  }
0x34: {  	[tilespmem:v2+s14+$0x0] =	vst.idx.add.f32.msk $0xffff, v1  }
0x35: {  	v1 =	vld [tilespmem:s20+$0xFFFFFFF0];
	_ =	sdelay $0x4  }
0x36: {  	v2 =	vld [tilespmem:s19+$0xFFFFFFF0];
	v1 =	vshll.u32 v1, $0x2;
	_ =	sdelay $0x4  }
0x37: {  	v2 =	vshll.u32 v2, $0x2;
	v3 =	vld.idx.msk [tilespmem:v1+s2+$0x0], $0xffff  }
0x38: {  	v52 =	vor.u32 $0x1, v1;
	_ =	sdelay $0x3  }
0x39: {  	[tilespmem:v2+s14+$0x0] =	vst.idx.add.f32.msk $0xffff, v3  }
0x3a: {  	v53 =	vor.u32 $0x1, v2;
	v3 =	vld.idx.msk [tilespmem:v52+s2+$0x0], $0xffff  }
0x3b: {  	v54 =	vor.u32 $0x2, v1;
	_ =	sdelay $0x3  }
0x3c: {  	[tilespmem:v53+s14+$0x0] =	vst.idx.add.f32.msk $0xffff, v3  }
0x3d: {  	v55 =	vor.u32 $0x2, v2;
	v3 =	vld.idx.msk [tilespmem:v54+s2+$0x0], $0xffff  }
0x3e: {  	v1 =	vor.u32 $0x3, v1;
	_ =	sdelay $0x3  }
0x3f: {  	[tilespmem:v55+s14+$0x0] =	vst.idx.add.f32.msk $0xffff, v3  }
0x40: {  	v2 =	vor.u32 $0x3, v2;
	v1 =	vld.idx.msk [tilespmem:v1+s2+$0x0], $0xffff;
	_ =	sdelay $0x4  }
0x41: {  	[tilespmem:v2+s14+$0x0] =	vst.idx.add.f32.msk $0xffff, v1  }
0x42: {  	v1 =	vld [tilespmem:s20+$0x0];
	_ =	sdelay $0x4  }
0x43: {  	v2 =	vld [tilespmem:s19+$0x0];
	v1 =	vshll.u32 v1, $0x2;
	_ =	sdelay $0x4  }
0x44: {  	v2 =	vshll.u32 v2, $0x2;
	v3 =	vld.idx.msk [tilespmem:v1+s2+$0x0], $0xffff  }
0x45: {  	v56 =	vor.u32 $0x1, v1;
	_ =	sdelay $0x3  }
0x46: {  	[tilespmem:v2+s14+$0x0] =	vst.idx.add.f32.msk $0xffff, v3  }
0x47: {  	v57 =	vor.u32 $0x1, v2;
	v3 =	vld.idx.msk [tilespmem:v56+s2+$0x0], $0xffff  }
0x48: {  	v58 =	vor.u32 $0x2, v1;
	_ =	sdelay $0x3  }
0x49: {  	[tilespmem:v57+s14+$0x0] =	vst.idx.add.f32.msk $0xffff, v3  }
0x4a: {  	v59 =	vor.u32 $0x2, v2;
	v3 =	vld.idx.msk [tilespmem:v58+s2+$0x0], $0xffff  }
0x4b: {  	v1 =	vor.u32 $0x3, v1;
	_ =	sdelay $0x3  }
0x4c: {  	[tilespmem:v59+s14+$0x0] =	vst.idx.add.f32.msk $0xffff, v3  }
0x4d: {  	v2 =	vor.u32 $0x3, v2;
	v1 =	vld.idx.msk [tilespmem:v1+s2+$0x0], $0xffff;
	_ =	sdelay $0x4  }
0x4e: {  	[tilespmem:v2+s14+$0x0] =	vst.idx.add.f32.msk $0xffff, v1  }
0x4f: {  	v1 =	vld [tilespmem:s20+$0x10];
	_ =	sdelay $0x4  }
0x50: {  	v2 =	vld [tilespmem:s19+$0x10];
	v1 =	vshll.u32 v1, $0x2;
	_ =	sdelay $0x4  }
0x51: {  	v2 =	vshll.u32 v2, $0x2;
	v3 =	vld.idx.msk [tilespmem:v1+s2+$0x0], $0xffff  }
0x52: {  	v60 =	vor.u32 $0x1, v1;
	_ =	sdelay $0x3  }
0x53: {  	[tilespmem:v2+s14+$0x0] =	vst.idx.add.f32.msk $0xffff, v3  }
0x54: {  	v61 =	vor.u32 $0x1, v2;
	v3 =	vld.idx.msk [tilespmem:v60+s2+$0x0], $0xffff  }
0x55: {  	v62 =	vor.u32 $0x2, v1;
	_ =	sdelay $0x3  }
0x56: {  	[tilespmem:v61+s14+$0x0] =	vst.idx.add.f32.msk $0xffff, v3  }
0x57: {  	v63 =	vor.u32 $0x2, v2;
	v3 =	vld.idx.msk [tilespmem:v62+s2+$0x0], $0xffff  }
0x58: {  	v1 =	vor.u32 $0x3, v1;
	_ =	sdelay $0x3  }
0x59: {  	s18 =	sadd.s32 $0x4, s18;
	[tilespmem:v63+s14+$0x0] =	vst.idx.add.f32.msk $0xffff, v3  }
0x5a: {  	p0 =	slt.u32 s18, $0x1F0;
	v2 =	vor.u32 $0x3, v2;
	v1 =	vld.idx.msk [tilespmem:v1+s2+$0x0], $0xffff  }
.Ltmp1:
0x5b: {  	_ = 	snop;
	(pc) =	sbr.rel @p0 .LBB2_5-.Ltmp1, $2  }
0x5c: {  	_ =	sdelay $0x2  }
0x5d: {  	s19 =	sadd.s32 $0x40, s19;
	s20 =	sadd.s32 $0x40, s20;
	[tilespmem:v2+s14+$0x0] =	vst.idx.add.f32.msk $0xffff, v1  }
0x5e: {  	s17 =	sadd.s32 $0x1, s17  }
0x5f: {  	p0 =	sne.s32 s17, $0x5  }
.Ltmp2:
0x60: {  	_ = 	snop;
	(pc) =	sbr.rel @p0 .LBB2_4-.Ltmp2, $1  }
0x61: {  	_ =	sdelay $0x3  }
0x62: {  	s16 =	sadd.s32 $0x1, s16  }
0x63: {  	p0 =	sne.s32 s16, s9  }
.Ltmp3:
0x64: {  	_ = 	snop;
	(pc) =	sbr.rel @p0 .LBB2_1-.Ltmp3, $4  }
0x65: {  	[hbm4b:s8+s10] =	stream.strided.scatter [tilespmem:s14], [sflag:$0x1], $0xA000, s15, s10, $0x38;
	[tilespmem:$0x17F00] =	vst v63  }
0x66: {  	_ =	swait.ge [sflag:s5], $0xA000  }
0x67: {  	[sflag:s5] =	ssyncset.done $0x0  }
0x68: {  	[sflag:s5] =	ssyncadd.s32 $0xFFFF6000  }
0x69: {  	_ =	sfence.sel $0x180000  }
0x6a: {  	[bflag:$0x0] =	sbarrier.arrive $0xFFFF  }
0x6b: {  	p0 =	sne.s32 s1, $0x0;
	_ =	strace $0x9000004D  }
0x6c: {  	s0 =	sadd.s32 @!p0 $0x100000, s0;
	[bflag:$0x2] =	sbarrier.arrive $0xFFFF  }
0x6d: {  	[sflag:s0] =	ssyncadd.tile.s32 @!p0 $0x1;
	_ =	shalt  }
.Lfunc_end2:
_tile_overlayer_lowered:
.L_overlay_start_2:
0x6e: {  	(tag) =	ssettag $0x2  }
0x6f: {  	s0 =	rddreg [dreg:$0x0];
	s2 =	stileid.u32  }
0x70: {  	s1 =	rddreg [dreg:$0x1];
	p0 =	sne.s32 s2, $0x0  }
0x71: {  	s3 =	rddreg [dreg:$0x2];
	[bflag:$0x3] =	sbarrier.arrive $0xFFFF;
	s2 =	simm.s32 @!p0 $0x1C01  }
0x72: {  	[timem:s3], [sflag:s2] =	dma.local @!p0 [hbm:s0], s1  }
0x73: {  	s0 =	simm.s32 @!p0 $0x1  }
0x74: {  	_ =	swait.ge @!p0 [sflag:s0], s1  }
0x75: {  	s1 =	ssub.s32 @!p0 $0x0, s1;
	[sflag:s0] =	ssyncset.done @!p0 $0x0  }
0x76: {  	[sflag:s0] =	ssyncadd.s32 @!p0 s1  }
0x77: {  	[bflag:$0x3] =	sbarrier.arrive $0xFFFF  }
0x78: {  	_ =	shalt  }

// kernel: kernel.8.cloned.1.call-start
scs
__scs_entry_jumppad:
0x0: {  	(pc) =	sbr.rel $0x88, $3  }
0x1: {  	(tag) =	ssettag $0x0;
	lr =	simm.s32 $0x1  }
0x2: {  	[smem:$0x3F9B] =	sst lr;
	_ =	strace $0xD0000000  }
0x3: {  	_ = 	snop  }
0x4: {  	_ = 	snop  }
0x5: {  	_ = 	snop  }
0x6: {  	_ = 	snop  }
0x7: {  	_ = 	snop  }
__scs_overlays_trampoline_lowered:
0x8: {  	[smem:$0x3FAA] =	sst s0  }
0x9: {  	[smem:$0x3FAB] =	sst s1  }
0xa: {  	[smem:$0x3FAC] =	sst s2  }
0xb: {  	[smem:$0x3FAD] =	sst s3  }
0xc: {  	[smem:$0x3FAE] =	sst s4  }
0xd: {  	[smem:$0x3FAF] =	sst s5  }
0xe: {  	[smem:$0x3FB0] =	sst s6  }
0xf: {  	[smem:$0x3FB1] =	sst s7  }
0x10: {  	[smem:$0x3FB2] =	sst s8  }
0x11: {  	[smem:$0x3FB3] =	sst s9;
	s0 =	simm.s32 @!p0 $0x0  }
0x12: {  	s1 =	sld [smem:$0x3F99];
	s0 =	simm.s32 @p0 $0x1  }
0x13: {  	[smem:$0x3FB4] =	sst s0;
	s0 =	simm.s32 @!p1 $0x0  }
0x14: {  	s2 =	sld [smem:$0x3F98];
	s0 =	simm.s32 @p1 $0x1  }
0x15: {  	[smem:$0x3FB5] =	sst s0;
	s0 =	simm.s32 @!p2 $0x0  }
0x16: {  	s3 =	sld [smem:$0x3FDB];
	s0 =	simm.s32 @p2 $0x1  }
0x17: {  	s4 =	simm.s32 $0x1BF5;
	[smem:$0x3FB7] =	sst s0  }
0x18: {  	s0 =	sld [smem:$0x3F9A];
	_ =	swait.ge [sflag:s4], $0x0  }
0x19: {  	s7 =	sld [smem:$0x3F9B]  }
0x1a: {  	s8 =	sadd.s32 $0xFFFFE003, lr  }
0x1b: {  	s9 =	sadd.s32 $0xFFFFFEF7, lr;
	s5 =	simm.s32 $0xFFFFFFFF;
	p2 =	slt.u32 s8, $0xFFFFF086  }
0x1c: {  	p1 =	slt.u32 s9, $0xF7A;
	s5 =	simm.s32 @!p2 $0x0  }
0x1d: {  	s5 =	simm.s32 @p1 $0x1;
	p0 =	seq.s32 s7, s2  }
0x1e: {  	s7 =	smul.u32 @!p0 $0xF7A, s2;
	p2 =	seq.s32 @!p0 s5, $0x0  }
0x1f: {  	s9 =	smul.u32 $0xF7A, s1;
	s8 =	simm.s32 @!p0 $0x1BF5;
	p2 =	por !p2, p0  }
0x20: {  	[sflag:s8] =	ssyncset.s32 @!p0 $0xFFFFF086;
	s6 =	sadd.s32 @!p0 s3, s7;
	s7 =	simm.s32 @!p0 $0x108  }
0x21: {  	s3 =	sadd.s32 s3, s9;
	s6 =	sadd.s32 @!p0 $0x88, s6;
	s7 =	simm.s32 @p2 $0x1082  }
0x22: {  	[simem:s7], [sflag:s8] =	dma.local @!p0 [hbm:s6], $0xF7A  }
0x23: {  	s9 =	sor.u32 $0xD0000000, s2;
	s6 =	simm.s32 $0x108;
	_ =	swait.ge @!p0 [sflag:s8], $0x0  }
0x24: {  	s3 =	sadd.s32 $0x88, s3;
	s6 =	simm.s32 @!p1 $0x1082;
	[sflag:s4] =	ssyncset.s32 $0xFFFFF086  }
0x25: {  	[simem:s6], [sflag:s4] =	dma.local [hbm:s3], $0xF7A  }
0x26: {  	[smem:$0x3F9B] =	sst s1;
	(tag) =	ssettag s2;
	_ =	strace s9  }
0x27: {  	s1 =	sld [smem:$0x3FAB]  }
0x28: {  	s2 =	sld [smem:$0x3FAC]  }
0x29: {  	s4 =	sld [smem:$0x3FAE]  }
0x2a: {  	p0 =	seq.s32 s5, $0x0;
	s5 =	sld [smem:$0x3FAF]  }
0x2b: {  	s6 =	sld [smem:$0x3FB0]  }
0x2c: {  	s7 =	sld [smem:$0x3FB1]  }
0x2d: {  	s3 =	simm.s32 $0x108;
	s8 =	sld [smem:$0x3FB2]  }
0x2e: {  	s3 =	simm.s32 @!p0 $0x1082;
	s9 =	sld [smem:$0x3FB3]  }
0x2f: {  	lr =	sadd.s32 s0, s3;
	s0 =	sld [smem:$0x3FAA]  }
0x30: {  	s3 =	sld [smem:$0x3FAD]  }
0x31: {  	[smem:$0x3FB6] =	sst s10  }
0x32: {  	s10 =	sld [smem:$0x3FB4];
	_ =	sdelay $0x3  }
0x33: {  	p0 =	seq.s32 s10, $0x1;
	s10 =	sld [smem:$0x3FB6];
	_ =	sdelay $0x3  }
0x34: {  	[smem:$0x3FB6] =	sst s10  }
0x35: {  	s10 =	sld [smem:$0x3FB5];
	_ =	sdelay $0x3  }
0x36: {  	p1 =	seq.s32 s10, $0x1;
	s10 =	sld [smem:$0x3FB6];
	_ =	sdelay $0x3  }
0x37: {  	[smem:$0x3FB6] =	sst s10  }
0x38: {  	s10 =	sld [smem:$0x3FB7]  }
0x39: {  	_ = 	snop;
	(pc) =	sbr.ind lr, $3  }
0x3a: {  	_ = 	snop  }
0x3b: {  	_ = 	snop  }
0x3c: {  	p2 =	seq.s32 s10, $0x1;
	s10 =	sld [smem:$0x3FB6]  }
0x3d: {  	_ =	shalt  }
0x3e: {  	_ =	shalt  }
0x3f: {  	_ =	shalt  }
0x40: {  	_ =	shalt  }
0x41: {  	_ =	shalt  }
0x42: {  	_ =	shalt  }
0x43: {  	_ =	shalt  }
0x44: {  	_ =	shalt  }
0x45: {  	_ =	shalt  }
0x46: {  	_ =	shalt  }
0x47: {  	_ =	shalt  }
0x48: {  	_ =	shalt  }
0x49: {  	_ =	shalt  }
0x4a: {  	_ =	shalt  }
0x4b: {  	_ =	shalt  }
0x4c: {  	_ =	shalt  }
0x4d: {  	_ =	shalt  }
0x4e: {  	_ =	shalt  }
0x4f: {  	_ =	shalt  }
0x50: {  	_ =	shalt  }
0x51: {  	_ =	shalt  }
0x52: {  	_ =	shalt  }
0x53: {  	_ =	shalt  }
0x54: {  	_ =	shalt  }
0x55: {  	_ =	shalt  }
0x56: {  	_ =	shalt  }
0x57: {  	_ =	shalt  }
0x58: {  	_ =	shalt  }
0x59: {  	_ =	shalt  }
0x5a: {  	_ =	shalt  }
0x5b: {  	_ =	shalt  }
0x5c: {  	_ =	shalt  }
0x5d: {  	_ =	shalt  }
0x5e: {  	_ =	shalt  }
0x5f: {  	_ =	shalt  }
0x60: {  	_ =	shalt  }
0x61: {  	_ =	shalt  }
0x62: {  	_ =	shalt  }
0x63: {  	_ =	shalt  }
0x64: {  	_ =	shalt  }
0x65: {  	_ =	shalt  }
0x66: {  	_ =	shalt  }
0x67: {  	_ =	shalt  }
0x68: {  	_ =	shalt  }
0x69: {  	_ =	shalt  }
0x6a: {  	_ =	shalt  }
0x6b: {  	_ =	shalt  }
0x6c: {  	_ =	shalt  }
0x6d: {  	_ =	shalt  }
0x6e: {  	_ =	shalt  }
0x6f: {  	_ =	shalt  }
0x70: {  	_ =	shalt  }
0x71: {  	_ =	shalt  }
0x72: {  	_ =	shalt  }
0x73: {  	_ =	shalt  }
0x74: {  	_ =	shalt  }
0x75: {  	_ =	shalt  }
0x76: {  	_ =	shalt  }
0x77: {  	_ =	shalt  }
0x78: {  	_ =	shalt  }
0x79: {  	_ =	shalt  }
0x7a: {  	_ =	shalt  }
0x7b: {  	_ =	shalt  }
0x7c: {  	_ =	shalt  }
0x7d: {  	_ =	shalt  }
0x7e: {  	_ =	shalt  }
0x7f: {  	_ =	shalt  }
0x80: {  	_ =	shalt  }
0x81: {  	_ =	shalt  }
0x82: {  	_ =	shalt  }
0x83: {  	_ =	shalt  }
0x84: {  	_ =	shalt  }
0x85: {  	_ =	shalt  }
0x86: {  	_ =	shalt  }
0x87: {  	_ =	shalt  }
.Lfunc_end0:
.L_simem_size_0:
called_computation_lowered:
.L_overlay_start_0:
0x88: {  	s2 =	sld [smem:$0x3FD9]  }
0x89: {  	s3 =	sld [smem:$0x3FFE];
	_ =	sdelay $0x1  }
0x8a: {  	s1 =	srdreg.scid  }
0x8b: {  	s0 =	sand.u32 $0x1, s1  }
0x8c: {  	s17 =	sshll.u32 s0, $0xA;
	s2 =	sadd.s32 s3, s2  }
0x8d: {  	s2 =	sadd.s32 s2, s17  }
0x8e: {  	[smem:$0x3FC2] =	sst s2  }
0x8f: {  	_ = 	snop  }
0x90: {  	s2 =	sld [smem:$0x3FD0];
	(tm) =	ssettm $0x1  }
0x91: {  	s18 =	sld [smem:$0x3FFB];
	_ =	sdelay $0x3  }
0x92: {  	_ =	strace s18  }
0x93: {  	s3 =	sld [smem:$0x3FFC];
	_ =	sdelay $0x3  }
0x94: {  	_ =	strace s3  }
0x95: {  	s3 =	sld [smem:$0x3FFD];
	_ =	sdelay $0x3  }
0x96: {  	_ =	strace s3  }
0x97: {  	_ =	strace $0x8FFFFFFF  }
0x98: {  	s19 =	sld [smem:$0x3FDB];
	_ =	sdelay $0x1  }
0x99: {  	s4 =	simm.s32 $_scs_section_size  }
0x9a: {  	s5 =	simm.s32 $_size__tile_overlayer_lowered;
	s6 =	simm.s32 $_tile_overlayer_lowered  }
0x9b: {  	s22 =	simm.s32 $0x1BFF;
	s21 =	sshll.u32 s6, $0x1;
	s3 =	sadd.s32 s4, s19  }
0x9c: {  	s7 =	simm.s32 $0x0;
	s20 =	sshll.u32 s5, $0x1;
	s5 =	sadd.s32 s21, s3  }
0x9d: {  	[timem:s7], [sflag:s22] =	dma.local [hbm:s5], s20  }
0x9e: {  	_ =	swait.ge [sflag:s22], s20  }
0x9f: {  	s4 =	ssub.s32 $0x0, s20;
	[sflag:s22] =	ssyncset.done $0x0  }
0xa0: {  	[sflag:s22] =	ssyncadd.s32 s4;
	_ =	sdelay $0x1  }
0xa1: {  	s23 =	simm.s32 $0x1B8B  }
0xa2: {  	_ =	swait.ge [sflag:s23], $0x1  }
0xa3: {  	[sflag:s23] =	ssyncset.done $0x0  }
0xa4: {  	s25 =	simm.s32 $0x1B8E;
	s24 =	sld [smem:$0x3FFE];
	[sflag:s23] =	ssyncadd.s32 $0xFFFFFFFF  }
0xa5: {  	s26 =	simm.s32 $execute0_lowered;
	[smem:$0x3FD2] =	sst s25  }
0xa6: {  	s5 =	sshll.u32 s26, $0x1;
	_ =	strace $0x80000046;
	[dreg:$0x1] =	wrdreg $0xFFFFFFFF  }
0xa7: {  	s28 =	simm.s32 $_size_execute0_lowered;
	s3 =	sadd.s32 s3, s5;
	[dreg:$0x0] =	wrdreg $0x0  }
0xa8: {  	s5 =	sshll.u32 s28, $0x1;
	[dreg:$0x2] =	wrdreg s3  }
0xa9: {  	[dreg:$0x3] =	wrdreg s5  }
0xaa: {  	[dreg:$0x4] =	wrdreg $0xC0  }
0xab: {  	_ =	task [dreg:s7], $0x5FFFF  }
0xac: {  	[dreg:$0x1] =	wrdreg $0xFFFFFFFF  }
0xad: {  	[dreg:$0x0] =	wrdreg $0x60  }
0xae: {  	[dreg:$0x2] =	wrdreg s24  }
0xaf: {  	[dreg:$0x3] =	wrdreg s2  }
0xb0: {  	[dreg:$0x4] =	wrdreg $0x9  }
0xb1: {  	_ =	task.clear_ibuf [dreg:s7], $0x5FFFF;
	_ =	strace $0x90000046  }
0xb2: {  	s29 =	simm.s32 $0x9;
	_ =	strace $0x80000048  }
0xb3: {  	_ =	swait.ge [sflag:s29], $0x1  }
0xb4: {  	[sflag:s29] =	ssyncadd.s32 $0xFFFFFFFF  }
0xb5: {  	_ =	strace $0x90000048  }
0xb6: {  	_ =	sfence  }
0xb7: {  	s30 =	sld [smem:$0x0];
	_ =	sdelay $0x2  }
0xb8: {  	s31 =	sshll.u32 s1, $0xD;
	s1 =	sshrl.u32 s1, $0x2  }
0xb9: {  	s3 =	sand.u32 $0x4000, s31;
	s1 =	sadd.s32 s1, s30  }
0xba: {  	s0 =	sor.u32 s3, s0;
	s1 =	sshll.u32 s1, $0x11  }
0xbb: {  	s0 =	sor.u32 s1, s0  }
0xbc: {  	s0 =	sadd.s32 $0x8F2B, s0  }
0xbd: {  	[sflag:s0] =	ssyncadd.remote.s32 $0x1  }
0xbe: {  	_ =	sfence.sel $0xFFFF  }
0xbf: {  	[dreg:$0x0] =	wrdreg $0xFFFFFFFF;
	(pc) =	sbr.abs _section_cstart, $3  }
0xc0: {  	[dreg:$0x1] =	wrdreg $0xFFFFFFFF  }
0xc1: {  	_ =	task.clear_ibuf [dreg:s7], $0x2FFFF;
	_ =	strace $0x9FFFFFFF  }
0xc2: {  	(tm) =	ssettm $0x7FFFFFFF  }
0xc3: {  	_ =	shalt  }
tec
execute0_lowered:
.L_overlay_start_1:
0x0: {  	(tag) =	ssettag $0x1  }
0x1: {  	s0 =	srdreg.scid  }
0x2: {  	s4 =	rddreg [dreg:$0x0];
	s3 =	sand.u32 $0x1, s0  }
0x3: {  	s5 =	rddreg [dreg:$0x1];
	s0 =	stileid.u32;
	s1 =	sshll.u32 s3, $0x4  }
0x4: {  	s2 =	simm.s32 $0x0;
	s9 =	simm.s32 $0x400;
	s6 =	sor.u32 s0, s1  }
0x5: {  	s10 =	simm.s32 $0x0;
	[smem:$0x7FF] =	sst s2;
	s7 =	sshrl.u32 s6, $0x3  }
0x6: {  	s8 =	sshll.u32 s0, $0x7;
	s3 =	ssub.s32 $0x2, s3;
	s7 =	smul.u32 $0x14000, s7  }
0x7: {  	s1 =	rddreg [dreg:$0x2];
	s8 =	sand.u32 $0x380, s8;
	s6 =	smul.u32 $0x4E2, s6  }
0x8: {  	_ =	strace $0x80000047;
	s31 =	sshrl.u32 s3, $0x1;
	s7 =	sor.u32 s8, s7  }
0x9: {  	s4 =	sadd.s32 s6, s4;
	s6 =	ssub.s32 s3, s31;
	s7 =	sshrl.u32 s7, $0x3  }
0xa: {  	s3 =	sadd.s32 $0xB600, s4;
	s8 =	simm.s32 $0x80;
	s4 =	sadd.s32 s5, s7  }
0xb: {  	v0 =	vimm.f32 $0.0e+00;
	v1 =	vimm.f32 $1.000000000e+00;
	s5 =	smax.u32 s6, $0x1;
	s6 =	simm.s32 $0x1;
	s7 =	simm.s32 $0x2780  }
.LBB2_1:
0xc: {  	[tilespmem:s2], [sflag:$0x1] =	stream.linear.gather [hbm4b:s3+s2], $0x2710, $0x38;
	[tilespmem:$0x4F80] =	vst v63  }
0xd: {  	_ =	swait.ge [sflag:s6], $0x2710  }
0xe: {  	[sflag:s6] =	ssyncset.done $0x0  }
0xf: {  	s11 =	simm.s32 $0x0;
	[sflag:s6] =	ssyncadd.s32 $0xFFFFD8F0  }
.LBB2_2:
0x10: {  	p0 =	sne.s32 s11, $0x9FC0  }
.Ltmp0:
0x11: {  	_ = 	snop;
	(pc) =	sbr.rel @p0 .LBB2_2-.Ltmp0, $3  }
0x12: {  	_ =	sdelay $0x1  }
0x13: {  	s12 =	sshra.s32 s11, $0x2  }
0x14: {  	s11 =	sadd.s32 $0x40, s11;
	[tilespmem:s12+$0x2780] =	vst v0  }
0x15: {  	s11 =	simm.s32 $0xFFFFFFF8;
	s12 =	simm.s32 $0x40  }
.LBB2_4:
0x16: {  	v2 =	vld [tilespmem:s12+$0xFFFFFFC0];
	_ =	sdelay $0x7  }
0x17: {  	[tilespmem:v2+s7+$0x0] =	vst.idx.add.f32.msk $0xffff, v1  }
0x18: {  	v2 =	vld [tilespmem:s12+$0xFFFFFFD0];
	_ =	sdelay $0x7  }
0x19: {  	[tilespmem:v2+s7+$0x0] =	vst.idx.add.f32.msk $0xffff, v1  }
0x1a: {  	v2 =	vld [tilespmem:s12+$0xFFFFFFE0];
	_ =	sdelay $0x7  }
0x1b: {  	[tilespmem:v2+s7+$0x0] =	vst.idx.add.f32.msk $0xffff, v1  }
0x1c: {  	v2 =	vld [tilespmem:s12+$0xFFFFFFF0];
	_ =	sdelay $0x7  }
0x1d: {  	[tilespmem:v2+s7+$0x0] =	vst.idx.add.f32.msk $0xffff, v1  }
0x1e: {  	v2 =	vld [tilespmem:s12+$0x0];
	_ =	sdelay $0x7  }
0x1f: {  	[tilespmem:v2+s7+$0x0] =	vst.idx.add.f32.msk $0xffff, v1  }
0x20: {  	v2 =	vld [tilespmem:s12+$0x10];
	_ =	sdelay $0x7  }
0x21: {  	[tilespmem:v2+s7+$0x0] =	vst.idx.add.f32.msk $0xffff, v1  }
0x22: {  	v2 =	vld [tilespmem:s12+$0x20];
	_ =	sdelay $0x7  }
0x23: {  	[tilespmem:v2+s7+$0x0] =	vst.idx.add.f32.msk $0xffff, v1  }
0x24: {  	v2 =	vld [tilespmem:s12+$0x30];
	_ =	sdelay $0x1  }
0x25: {  	s11 =	sadd.s32 $0x8, s11  }
0x26: {  	p0 =	slt.u32 s11, $0x268  }
.Ltmp1:
0x27: {  	_ = 	snop;
	(pc) =	sbr.rel @p0 .LBB2_4-.Ltmp1, $2  }
0x28: {  	_ =	sdelay $0x2  }
0x29: {  	s12 =	sadd.s32 $0x80, s12;
	[tilespmem:v2+s7+$0x0] =	vst.idx.add.f32.msk $0xffff, v1  }
0x2a: {  	v2 =	vld [tilespmem:$0x2700];
	_ =	sdelay $0x5  }
0x2b: {  	s10 =	sadd.s32 $0x1, s10  }
0x2c: {  	p0 =	sne.s32 s10, s5  }
.Ltmp2:
0x2d: {  	[tilespmem:v2+s7+$0x0] =	vst.idx.add.f32.msk $0xffff, v1;
	(pc) =	sbr.rel @p0 .LBB2_1-.Ltmp2, $4  }
0x2e: {  	[hbm4b:s4+s8] =	stream.strided.scatter [tilespmem:s7], [sflag:$0x1], $0x2800, s9, s8, $0x38;
	[tilespmem:$0x4F80] =	vst v63  }
0x2f: {  	_ =	swait.ge [sflag:s6], $0x2800  }
0x30: {  	[sflag:s6] =	ssyncset.done $0x0  }
0x31: {  	[sflag:s6] =	ssyncadd.s32 $0xFFFFD800  }
0x32: {  	_ =	sfence.sel $0x180000  }
0x33: {  	[bflag:$0x0] =	sbarrier.arrive $0xFFFF  }
0x34: {  	p0 =	sne.s32 s0, $0x0;
	_ =	strace $0x90000047  }
0x35: {  	s0 =	sadd.s32 @!p0 $0x100000, s1;
	[bflag:$0x2] =	sbarrier.arrive $0xFFFF  }
0x36: {  	[sflag:s0] =	ssyncadd.tile.s32 @!p0 $0x1;
	_ =	shalt  }
.Lfunc_end2:
_tile_overlayer_lowered:
.L_overlay_start_2:
0x37: {  	(tag) =	ssettag $0x2  }
0x38: {  	s0 =	rddreg [dreg:$0x0];
	s2 =	stileid.u32  }
0x39: {  	s1 =	rddreg [dreg:$0x1];
	p0 =	sne.s32 s2, $0x0  }
0x3a: {  	s3 =	rddreg [dreg:$0x2];
	[bflag:$0x3] =	sbarrier.arrive $0xFFFF;
	s2 =	simm.s32 @!p0 $0x1C01  }
0x3b: {  	[timem:s3], [sflag:s2] =	dma.local @!p0 [hbm:s0], s1  }
0x3c: {  	s0 =	simm.s32 @!p0 $0x1  }
0x3d: {  	_ =	swait.ge @!p0 [sflag:s0], s1  }
0x3e: {  	s1 =	ssub.s32 @!p0 $0x0, s1;
	[sflag:s0] =	ssyncset.done @!p0 $0x0  }
0x3f: {  	[sflag:s0] =	ssyncadd.s32 @!p0 s1  }
0x40: {  	[bflag:$0x3] =	sbarrier.arrive $0xFFFF  }
0x41: {  	_ =	shalt  }

</sc_bundles>
